<compile_context>
chip_gen: v7x
topology: tpu7x:2x2x1
jax: 0.10.2.dev20260603
libtpu: 0.0.44.dev20260713+nightly
codegen_flags: <defaults>
</compile_context>

<pallas_src>
import functools

import jax
import jax.numpy as jnp
from jax import lax
from jax.experimental import pallas as pl
from jax.experimental.pallas import tpu as pltpu
from jax.experimental.pallas import tpu_sc as plsc

D = 32
B = 4096 * 200

NC = 2
NS = 16
NW = NC * NS
B_PER_W = B // NW
NBUF = 4
CHUNK = 800
N_CHUNKS = B_PER_W // CHUNK


def _make_gather():
    mesh = plsc.VectorSubcoreMesh(core_axis_name="c", subcore_axis_name="s")

    scratch = (
        [pltpu.VMEM((B_PER_W,), jnp.int32)]
        + [pltpu.VMEM((CHUNK, D), jnp.float32) for _ in range(NBUF)]
        + [pltpu.SemaphoreType.DMA for _ in range(2 * NBUF)]
    )

    @functools.partial(
        pl.kernel,
        mesh=mesh,
        compiler_params=pltpu.CompilerParams(use_tc_tiling_on_sc=False),
        out_type=jax.ShapeDtypeStruct((B, D), jnp.float32),
        scratch_types=scratch,
    )
    def gather_k(idx_hbm, table_hbm, out_hbm, *refs):
        idx_v = refs[0]
        rows_v = refs[1:1 + NBUF]
        gsem = refs[1 + NBUF:1 + 2 * NBUF]
        osem = refs[1 + 2 * NBUF:1 + 3 * NBUF]

        wid = lax.axis_index("s") * NC + lax.axis_index("c")
        base = wid * B_PER_W

        pltpu.sync_copy(idx_hbm.at[pl.ds(base, B_PER_W)], idx_v)

        gather_d = [None] * N_CHUNKS
        out_d = [None] * N_CHUNKS
        for t in range(N_CHUNKS + 1):
            if t < N_CHUNKS:
                b = t % NBUF
                if t >= NBUF:
                    out_d[t - NBUF].wait()
                gather_d[t] = pltpu.async_copy(
                    table_hbm.at[idx_v.at[pl.ds(t * CHUNK, CHUNK)]],
                    rows_v[b], gsem[b])
            if t >= 1:
                g = t - 1
                b = g % NBUF
                gather_d[g].wait()
                off = base + g * CHUNK
                out_d[g] = pltpu.async_copy(
                    rows_v[b], out_hbm.at[pl.ds(off, CHUNK)], osem[b])
        for g in range(N_CHUNKS - NBUF, N_CHUNKS):
            out_d[g].wait()

    return gather_k


_gather = _make_gather()


def kernel(input_variable, table):
    idx = input_variable.reshape(B).astype(jnp.int32)
    out = _gather(idx, table)
    return out.reshape(input_variable.shape[0], input_variable.shape[1], D)

# --- scband reference (transcript-rebuilt; emitter-appended) ---
"""Pipeline reference for scband-embedding-layer-11845519802752 (READ-ONLY COPY).

The authoritative reference and input builder live on the scoring server;
editing this copy changes nothing except your own understanding.
"""

import jax, jax.numpy as jnp
import numpy as np

VOCAB = 1000000
EMBED_DIM = 32
BATCH = 4096
HIST = 200

def setup_inputs(seed: int = 0) -> dict:
    key = jax.random.key(seed)
    k_idx, k_tab = jax.random.split(key)
    input_variable = jax.random.randint(k_idx, (BATCH, HIST), 0, VOCAB, dtype=jnp.int64 if jax.config.jax_enable_x64 else jnp.int32)
    table = jax.random.normal(k_tab, (VOCAB, EMBED_DIM), dtype=jnp.float32)
    return {"input_variable": input_variable, "table": table}

def reference(input_variable, table):
    # nn.Embedding lookup: gather rows of the table by index.
    embedded = jnp.take(table, input_variable, axis=0)
    # Dropout in eval/inference mode is identity (deterministic reference).
    return embedded

if __name__ == "__main__":
    import jax
    _d = setup_inputs()
    print(jax.jit(kernel)(*tuple(_d.values())))

</pallas_src>

<mosaic_0001>
#map = affine_map<(d0, d1) -> (0)>
#map1 = affine_map<(d0, d1) -> (0, 0)>
module attributes {stable_mosaic.version = 14 : i64} {
  func.func @gather_k(%arg0: i32, %arg1: i32, %arg2: memref<819200xi32, #tpu.memory_space<hbm>>, %arg3: memref<1000000x32xf32, #tpu.memory_space<hbm>>, %arg4: memref<819200x32xf32, #tpu.memory_space<hbm>>, %arg5: memref<25600xi32, #tpu.memory_space<vmem>>, %arg6: memref<800x32xf32, #tpu.memory_space<vmem>>, %arg7: memref<800x32xf32, #tpu.memory_space<vmem>>, %arg8: memref<800x32xf32, #tpu.memory_space<vmem>>, %arg9: memref<800x32xf32, #tpu.memory_space<vmem>>, %arg10: memref<!tpu.dma_semaphore, #tpu.memory_space<semaphore_mem>>, %arg11: memref<!tpu.dma_semaphore, #tpu.memory_space<semaphore_mem>>, %arg12: memref<!tpu.dma_semaphore, #tpu.memory_space<semaphore_mem>>, %arg13: memref<!tpu.dma_semaphore, #tpu.memory_space<semaphore_mem>>, %arg14: memref<!tpu.dma_semaphore, #tpu.memory_space<semaphore_mem>>, %arg15: memref<!tpu.dma_semaphore, #tpu.memory_space<semaphore_mem>>, %arg16: memref<!tpu.dma_semaphore, #tpu.memory_space<semaphore_mem>>, %arg17: memref<!tpu.dma_semaphore, #tpu.memory_space<semaphore_mem>>) attributes {dimension_semantics = [#tpu.dimension_semantics<core_parallel>, #tpu.dimension_semantics<subcore_parallel>], iteration_bounds = array<i64: 2, 16>, scalar_prefetch = 0 : i64, scratch_operands = 13 : i64, tpu.core_type = #tpu.core_type<sc_vector_subcore>, window_params = [{transform_indices = #map}, {transform_indices = #map1}, {transform_indices = #map1}]} {
    %mul3A = arith.constant 2 : i32
    %mul3A_0 = arith.muli %arg1, %mul3A : i32
    %add3A = arith.addi %mul3A_0, %arg0 : i32
    %mul3A_1 = arith.constant 25600 : i32
    %mul3A_2 = arith.muli %add3A, %mul3A_1 : i32
    "tpu.region"() ({
      %run_scoped3A = tpu.sem_alloc : memref<!tpu.dma_semaphore, #tpu.memory_space<semaphore_mem>>
      %dma_start3A_641 = tpu.memref_slice %arg2[%mul3A_2] : memref<819200xi32, #tpu.memory_space<hbm>> -> memref<25600xi32, #tpu.memory_space<hbm>>
      %dma_start3A_642 = tpu.memref_slice %arg2[%mul3A_2] : memref<819200xi32, #tpu.memory_space<hbm>> -> memref<25600xi32, #tpu.memory_space<hbm>>
      tpu.enqueue_dma source(%dma_start3A_642 : memref<25600xi32, #tpu.memory_space<hbm>>) target(%arg5 : memref<25600xi32, #tpu.memory_space<vmem>>) target_semaphore(%run_scoped3A : memref<!tpu.dma_semaphore, #tpu.memory_space<semaphore_mem>>)
      %dma_wait3A_643 = tpu.memref_slice %arg2[%mul3A_2] : memref<819200xi32, #tpu.memory_space<hbm>> -> memref<25600xi32, #tpu.memory_space<hbm>>
      %dma_wait3A_644 = tpu.memref_slice %arg2[%mul3A_2] : memref<819200xi32, #tpu.memory_space<hbm>> -> memref<25600xi32, #tpu.memory_space<hbm>>
      tpu.wait_dma2 semaphore(%run_scoped3A : memref<!tpu.dma_semaphore, #tpu.memory_space<semaphore_mem>>) src(%dma_wait3A_644 : memref<25600xi32, #tpu.memory_space<hbm>>) dst(%arg5 : memref<25600xi32, #tpu.memory_space<vmem>>)
      tpu.yield
    }) : () -> ()
    %dma_start3A = arith.constant 0 : i32
    %dma_start3A_3 = tpu.memref_slice %arg5[%dma_start3A] : memref<25600xi32, #tpu.memory_space<vmem>> -> memref<800xi32, #tpu.memory_space<vmem>>
    %dma_start3A_4 = arith.constant 0 : i32
    %dma_start3A_5 = arith.constant 0 : i32
    %dma_start3A_6 = tpu.memref_slice %arg3[%dma_start3A_4, %dma_start3A_5] : memref<1000000x32xf32, #tpu.memory_space<hbm>> -> memref<1000000x32xf32, #tpu.memory_space<hbm>>
    tpu.enqueue_indirect_dma source(%dma_start3A_6 : memref<1000000x32xf32, #tpu.memory_space<hbm>>) target(%arg6 : memref<800x32xf32, #tpu.memory_space<vmem>>) offsets(%dma_start3A_3 : memref<800xi32, #tpu.memory_space<vmem>>) semaphore(%arg10 : memref<!tpu.dma_semaphore, #tpu.memory_space<semaphore_mem>>)
    %dma_start3A_7 = arith.constant 800 : i32
    %dma_start3A_8 = tpu.memref_slice %arg5[%dma_start3A_7] : memref<25600xi32, #tpu.memory_space<vmem>> -> memref<800xi32, #tpu.memory_space<vmem>>
    %dma_start3A_9 = arith.constant 0 : i32
    %dma_start3A_10 = arith.constant 0 : i32
    %dma_start3A_11 = tpu.memref_slice %arg3[%dma_start3A_9, %dma_start3A_10] : memref<1000000x32xf32, #tpu.memory_space<hbm>> -> memref<1000000x32xf32, #tpu.memory_space<hbm>>
    tpu.enqueue_indirect_dma source(%dma_start3A_11 : memref<1000000x32xf32, #tpu.memory_space<hbm>>) target(%arg7 : memref<800x32xf32, #tpu.memory_space<vmem>>) offsets(%dma_start3A_8 : memref<800xi32, #tpu.memory_space<vmem>>) semaphore(%arg11 : memref<!tpu.dma_semaphore, #tpu.memory_space<semaphore_mem>>)
    %dma_wait3A = arith.constant 0 : i32
    %dma_wait3A_12 = tpu.memref_slice %arg5[%dma_wait3A] : memref<25600xi32, #tpu.memory_space<vmem>> -> memref<800xi32, #tpu.memory_space<vmem>>
    %dma_wait3A_13 = arith.constant 0 : i32
    %dma_wait3A_14 = arith.constant 0 : i32
    %dma_wait3A_15 = tpu.memref_slice %arg3[%dma_wait3A_13, %dma_wait3A_14] : memref<1000000x32xf32, #tpu.memory_space<hbm>> -> memref<1000000x32xf32, #tpu.memory_space<hbm>>
    tpu.wait_indirect_dma semaphore(%arg10 : memref<!tpu.dma_semaphore, #tpu.memory_space<semaphore_mem>>) src(%dma_wait3A_15 : memref<1000000x32xf32, #tpu.memory_space<hbm>>) dst(%arg6 : memref<800x32xf32, #tpu.memory_space<vmem>>)
    %add3A_16 = arith.constant 0 : i32
    %add3A_17 = arith.addi %mul3A_2, %add3A_16 : i32
    %dma_start3A_18 = arith.constant 0 : i32
    %dma_start3A_19 = tpu.memref_slice %arg4[%add3A_17, %dma_start3A_18] : memref<819200x32xf32, #tpu.memory_space<hbm>> -> memref<800x32xf32, #tpu.memory_space<hbm>>
    %dma_start3A_20 = arith.constant 0 : i32
    %dma_start3A_21 = tpu.memref_slice %arg4[%add3A_17, %dma_start3A_20] : memref<819200x32xf32, #tpu.memory_space<hbm>> -> memref<800x32xf32, #tpu.memory_space<hbm>>
    tpu.enqueue_dma source(%arg6 : memref<800x32xf32, #tpu.memory_space<vmem>>) target(%dma_start3A_21 : memref<800x32xf32, #tpu.memory_space<hbm>>) target_semaphore(%arg14 : memref<!tpu.dma_semaphore, #tpu.memory_space<semaphore_mem>>)
    %dma_start3A_22 = arith.constant 1600 : i32
    %dma_start3A_23 = tpu.memref_slice %arg5[%dma_start3A_22] : memref<25600xi32, #tpu.memory_space<vmem>> -> memref<800xi32, #tpu.memory_space<vmem>>
    %dma_start3A_24 = arith.constant 0 : i32
    %dma_start3A_25 = arith.constant 0 : i32
    %dma_start3A_26 = tpu.memref_slice %arg3[%dma_start3A_24, %dma_start3A_25] : memref<1000000x32xf32, #tpu.memory_space<hbm>> -> memref<1000000x32xf32, #tpu.memory_space<hbm>>
    tpu.enqueue_indirect_dma source(%dma_start3A_26 : memref<1000000x32xf32, #tpu.memory_space<hbm>>) target(%arg8 : memref<800x32xf32, #tpu.memory_space<vmem>>) offsets(%dma_start3A_23 : memref<800xi32, #tpu.memory_space<vmem>>) semaphore(%arg12 : memref<!tpu.dma_semaphore, #tpu.memory_space<semaphore_mem>>)
    %dma_wait3A_27 = arith.constant 800 : i32
    %dma_wait3A_28 = tpu.memref_slice %arg5[%dma_wait3A_27] : memref<25600xi32, #tpu.memory_space<vmem>> -> memref<800xi32, #tpu.memory_space<vmem>>
    %dma_wait3A_29 = arith.constant 0 : i32
    %dma_wait3A_30 = arith.constant 0 : i32
    %dma_wait3A_31 = tpu.memref_slice %arg3[%dma_wait3A_29, %dma_wait3A_30] : memref<1000000x32xf32, #tpu.memory_space<hbm>> -> memref<1000000x32xf32, #tpu.memory_space<hbm>>
    tpu.wait_indirect_dma semaphore(%arg11 : memref<!tpu.dma_semaphore, #tpu.memory_space<semaphore_mem>>) src(%dma_wait3A_31 : memref<1000000x32xf32, #tpu.memory_space<hbm>>) dst(%arg7 : memref<800x32xf32, #tpu.memory_space<vmem>>)
    %add3A_32 = arith.constant 800 : i32
    %add3A_33 = arith.addi %mul3A_2, %add3A_32 : i32
    %dma_start3A_34 = arith.constant 0 : i32
    %dma_start3A_35 = tpu.memref_slice %arg4[%add3A_33, %dma_start3A_34] : memref<819200x32xf32, #tpu.memory_space<hbm>> -> memref<800x32xf32, #tpu.memory_space<hbm>>
    %dma_start3A_36 = arith.constant 0 : i32
    %dma_start3A_37 = tpu.memref_slice %arg4[%add3A_33, %dma_start3A_36] : memref<819200x32xf32, #tpu.memory_space<hbm>> -> memref<800x32xf32, #tpu.memory_space<hbm>>
    tpu.enqueue_dma source(%arg7 : memref<800x32xf32, #tpu.memory_space<vmem>>) target(%dma_start3A_37 : memref<800x32xf32, #tpu.memory_space<hbm>>) target_semaphore(%arg15 : memref<!tpu.dma_semaphore, #tpu.memory_space<semaphore_mem>>)
    %dma_start3A_38 = arith.constant 2400 : i32
    %dma_start3A_39 = tpu.memref_slice %arg5[%dma_start3A_38] : memref<25600xi32, #tpu.memory_space<vmem>> -> memref<800xi32, #tpu.memory_space<vmem>>
    %dma_start3A_40 = arith.constant 0 : i32
    %dma_start3A_41 = arith.constant 0 : i32
    %dma_start3A_42 = tpu.memref_slice %arg3[%dma_start3A_40, %dma_start3A_41] : memref<1000000x32xf32, #tpu.memory_space<hbm>> -> memref<1000000x32xf32, #tpu.memory_space<hbm>>
    tpu.enqueue_indirect_dma source(%dma_start3A_42 : memref<1000000x32xf32, #tpu.memory_space<hbm>>) target(%arg9 : memref<800x32xf32, #tpu.memory_space<vmem>>) offsets(%dma_start3A_39 : memref<800xi32, #tpu.memory_space<vmem>>) semaphore(%arg13 : memref<!tpu.dma_semaphore, #tpu.memory_space<semaphore_mem>>)
    %dma_wait3A_43 = arith.constant 1600 : i32
    %dma_wait3A_44 = tpu.memref_slice %arg5[%dma_wait3A_43] : memref<25600xi32, #tpu.memory_space<vmem>> -> memref<800xi32, #tpu.memory_space<vmem>>
    %dma_wait3A_45 = arith.constant 0 : i32
    %dma_wait3A_46 = arith.constant 0 : i32
    %dma_wait3A_47 = tpu.memref_slice %arg3[%dma_wait3A_45, %dma_wait3A_46] : memref<1000000x32xf32, #tpu.memory_space<hbm>> -> memref<1000000x32xf32, #tpu.memory_space<hbm>>
    tpu.wait_indirect_dma semaphore(%arg12 : memref<!tpu.dma_semaphore, #tpu.memory_space<semaphore_mem>>) src(%dma_wait3A_47 : memref<1000000x32xf32, #tpu.memory_space<hbm>>) dst(%arg8 : memref<800x32xf32, #tpu.memory_space<vmem>>)
    %add3A_48 = arith.constant 1600 : i32
    %add3A_49 = arith.addi %mul3A_2, %add3A_48 : i32
    %dma_start3A_50 = arith.constant 0 : i32
    %dma_start3A_51 = tpu.memref_slice %arg4[%add3A_49, %dma_start3A_50] : memref<819200x32xf32, #tpu.memory_space<hbm>> -> memref<800x32xf32, #tpu.memory_space<hbm>>
    %dma_start3A_52 = arith.constant 0 : i32
    %dma_start3A_53 = tpu.memref_slice %arg4[%add3A_49, %dma_start3A_52] : memref<819200x32xf32, #tpu.memory_space<hbm>> -> memref<800x32xf32, #tpu.memory_space<hbm>>
    tpu.enqueue_dma source(%arg8 : memref<800x32xf32, #tpu.memory_space<vmem>>) target(%dma_start3A_53 : memref<800x32xf32, #tpu.memory_space<hbm>>) target_semaphore(%arg16 : memref<!tpu.dma_semaphore, #tpu.memory_space<semaphore_mem>>)
    %dma_wait3A_54 = arith.constant 0 : i32
    %dma_wait3A_55 = tpu.memref_slice %arg4[%add3A_17, %dma_wait3A_54] : memref<819200x32xf32, #tpu.memory_space<hbm>> -> memref<800x32xf32, #tpu.memory_space<hbm>>
    %dma_wait3A_56 = arith.constant 0 : i32
    %dma_wait3A_57 = tpu.memref_slice %arg4[%add3A_17, %dma_wait3A_56] : memref<819200x32xf32, #tpu.memory_space<hbm>> -> memref<800x32xf32, #tpu.memory_space<hbm>>
    tpu.wait_dma2 semaphore(%arg14 : memref<!tpu.dma_semaphore, #tpu.memory_space<semaphore_mem>>) src(%arg6 : memref<800x32xf32, #tpu.memory_space<vmem>>) dst(%dma_wait3A_57 : memref<800x32xf32, #tpu.memory_space<hbm>>)
    %dma_start3A_58 = arith.constant 3200 : i32
    %dma_start3A_59 = tpu.memref_slice %arg5[%dma_start3A_58] : memref<25600xi32, #tpu.memory_space<vmem>> -> memref<800xi32, #tpu.memory_space<vmem>>
    %dma_start3A_60 = arith.constant 0 : i32
    %dma_start3A_61 = arith.constant 0 : i32
    %dma_start3A_62 = tpu.memref_slice %arg3[%dma_start3A_60, %dma_start3A_61] : memref<1000000x32xf32, #tpu.memory_space<hbm>> -> memref<1000000x32xf32, #tpu.memory_space<hbm>>
    tpu.enqueue_indirect_dma source(%dma_start3A_62 : memref<1000000x32xf32, #tpu.memory_space<hbm>>) target(%arg6 : memref<800x32xf32, #tpu.memory_space<vmem>>) offsets(%dma_start3A_59 : memref<800xi32, #tpu.memory_space<vmem>>) semaphore(%arg10 : memref<!tpu.dma_semaphore, #tpu.memory_space<semaphore_mem>>)
    %dma_wait3A_63 = arith.constant 2400 : i32
    %dma_wait3A_64 = tpu.memref_slice %arg5[%dma_wait3A_63] : memref<25600xi32, #tpu.memory_space<vmem>> -> memref<800xi32, #tpu.memory_space<vmem>>
    %dma_wait3A_65 = arith.constant 0 : i32
    %dma_wait3A_66 = arith.constant 0 : i32
    %dma_wait3A_67 = tpu.memref_slice %arg3[%dma_wait3A_65, %dma_wait3A_66] : memref<1000000x32xf32, #tpu.memory_space<hbm>> -> memref<1000000x32xf32, #tpu.memory_space<hbm>>
    tpu.wait_indirect_dma semaphore(%arg13 : memref<!tpu.dma_semaphore, #tpu.memory_space<semaphore_mem>>) src(%dma_wait3A_67 : memref<1000000x32xf32, #tpu.memory_space<hbm>>) dst(%arg9 : memref<800x32xf32, #tpu.memory_space<vmem>>)
    %add3A_68 = arith.constant 2400 : i32
    %add3A_69 = arith.addi %mul3A_2, %add3A_68 : i32
    %dma_start3A_70 = arith.constant 0 : i32
    %dma_start3A_71 = tpu.memref_slice %arg4[%add3A_69, %dma_start3A_70] : memref<819200x32xf32, #tpu.memory_space<hbm>> -> memref<800x32xf32, #tpu.memory_space<hbm>>
    %dma_start3A_72 = arith.constant 0 : i32
    %dma_start3A_73 = tpu.memref_slice %arg4[%add3A_69, %dma_start3A_72] : memref<819200x32xf32, #tpu.memory_space<hbm>> -> memref<800x32xf32, #tpu.memory_space<hbm>>
    tpu.enqueue_dma source(%arg9 : memref<800x32xf32, #tpu.memory_space<vmem>>) target(%dma_start3A_73 : memref<800x32xf32, #tpu.memory_space<hbm>>) target_semaphore(%arg17 : memref<!tpu.dma_semaphore, #tpu.memory_space<semaphore_mem>>)
    %dma_wait3A_74 = arith.constant 0 : i32
    %dma_wait3A_75 = tpu.memref_slice %arg4[%add3A_33, %dma_wait3A_74] : memref<819200x32xf32, #tpu.memory_space<hbm>> -> memref<800x32xf32, #tpu.memory_space<hbm>>
    %dma_wait3A_76 = arith.constant 0 : i32
    %dma_wait3A_77 = tpu.memref_slice %arg4[%add3A_33, %dma_wait3A_76] : memref<819200x32xf32, #tpu.memory_space<hbm>> -> memref<800x32xf32, #tpu.memory_space<hbm>>
    tpu.wait_dma2 semaphore(%arg15 : memref<!tpu.dma_semaphore, #tpu.memory_space<semaphore_mem>>) src(%arg7 : memref<800x32xf32, #tpu.memory_space<vmem>>) dst(%dma_wait3A_77 : memref<800x32xf32, #tpu.memory_space<hbm>>)
    %dma_start3A_78 = arith.constant 4000 : i32
    %dma_start3A_79 = tpu.memref_slice %arg5[%dma_start3A_78] : memref<25600xi32, #tpu.memory_space<vmem>> -> memref<800xi32, #tpu.memory_space<vmem>>
    %dma_start3A_80 = arith.constant 0 : i32
    %dma_start3A_81 = arith.constant 0 : i32
    %dma_start3A_82 = tpu.memref_slice %arg3[%dma_start3A_80, %dma_start3A_81] : memref<1000000x32xf32, #tpu.memory_space<hbm>> -> memref<1000000x32xf32, #tpu.memory_space<hbm>>
    tpu.enqueue_indirect_dma source(%dma_start3A_82 : memref<1000000x32xf32, #tpu.memory_space<hbm>>) target(%arg7 : memref<800x32xf32, #tpu.memory_space<vmem>>) offsets(%dma_start3A_79 : memref<800xi32, #tpu.memory_space<vmem>>) semaphore(%arg11 : memref<!tpu.dma_semaphore, #tpu.memory_space<semaphore_mem>>)
    %dma_wait3A_83 = arith.constant 3200 : i32
    %dma_wait3A_84 = tpu.memref_slice %arg5[%dma_wait3A_83] : memref<25600xi32, #tpu.memory_space<vmem>> -> memref<800xi32, #tpu.memory_space<vmem>>
    %dma_wait3A_85 = arith.constant 0 : i32
    %dma_wait3A_86 = arith.constant 0 : i32
    %dma_wait3A_87 = tpu.memref_slice %arg3[%dma_wait3A_85, %dma_wait3A_86] : memref<1000000x32xf32, #tpu.memory_space<hbm>> -> memref<1000000x32xf32, #tpu.memory_space<hbm>>
    tpu.wait_indirect_dma semaphore(%arg10 : memref<!tpu.dma_semaphore, #tpu.memory_space<semaphore_mem>>) src(%dma_wait3A_87 : memref<1000000x32xf32, #tpu.memory_space<hbm>>) dst(%arg6 : memref<800x32xf32, #tpu.memory_space<vmem>>)
    %add3A_88 = arith.constant 3200 : i32
    %add3A_89 = arith.addi %mul3A_2, %add3A_88 : i32
    %dma_start3A_90 = arith.constant 0 : i32
    %dma_start3A_91 = tpu.memref_slice %arg4[%add3A_89, %dma_start3A_90] : memref<819200x32xf32, #tpu.memory_space<hbm>> -> memref<800x32xf32, #tpu.memory_space<hbm>>
    %dma_start3A_92 = arith.constant 0 : i32
    %dma_start3A_93 = tpu.memref_slice %arg4[%add3A_89, %dma_start3A_92] : memref<819200x32xf32, #tpu.memory_space<hbm>> -> memref<800x32xf32, #tpu.memory_space<hbm>>
    tpu.enqueue_dma source(%arg6 : memref<800x32xf32, #tpu.memory_space<vmem>>) target(%dma_start3A_93 : memref<800x32xf32, #tpu.memory_space<hbm>>) target_semaphore(%arg14 : memref<!tpu.dma_semaphore, #tpu.memory_space<semaphore_mem>>)
    %dma_wait3A_94 = arith.constant 0 : i32
    %dma_wait3A_95 = tpu.memref_slice %arg4[%add3A_49, %dma_wait3A_94] : memref<819200x32xf32, #tpu.memory_space<hbm>> -> memref<800x32xf32, #tpu.memory_space<hbm>>
    %dma_wait3A_96 = arith.constant 0 : i32
    %dma_wait3A_97 = tpu.memref_slice %arg4[%add3A_49, %dma_wait3A_96] : memref<819200x32xf32, #tpu.memory_space<hbm>> -> memref<800x32xf32, #tpu.memory_space<hbm>>
    tpu.wait_dma2 semaphore(%arg16 : memref<!tpu.dma_semaphore, #tpu.memory_space<semaphore_mem>>) src(%arg8 : memref<800x32xf32, #tpu.memory_space<vmem>>) dst(%dma_wait3A_97 : memref<800x32xf32, #tpu.memory_space<hbm>>)
    %dma_start3A_98 = arith.constant 4800 : i32
    %dma_start3A_99 = tpu.memref_slice %arg5[%dma_start3A_98] : memref<25600xi32, #tpu.memory_space<vmem>> -> memref<800xi32, #tpu.memory_space<vmem>>
    %dma_start3A_100 = arith.constant 0 : i32
    %dma_start3A_101 = arith.constant 0 : i32
    %dma_start3A_102 = tpu.memref_slice %arg3[%dma_start3A_100, %dma_start3A_101] : memref<1000000x32xf32, #tpu.memory_space<hbm>> -> memref<1000000x32xf32, #tpu.memory_space<hbm>>
    tpu.enqueue_indirect_dma source(%dma_start3A_102 : memref<1000000x32xf32, #tpu.memory_space<hbm>>) target(%arg8 : memref<800x32xf32, #tpu.memory_space<vmem>>) offsets(%dma_start3A_99 : memref<800xi32, #tpu.memory_space<vmem>>) semaphore(%arg12 : memref<!tpu.dma_semaphore, #tpu.memory_space<semaphore_mem>>)
    %dma_wait3A_103 = arith.constant 4000 : i32
    %dma_wait3A_104 = tpu.memref_slice %arg5[%dma_wait3A_103] : memref<25600xi32, #tpu.memory_space<vmem>> -> memref<800xi32, #tpu.memory_space<vmem>>
    %dma_wait3A_105 = arith.constant 0 : i32
    %dma_wait3A_106 = arith.constant 0 : i32
    %dma_wait3A_107 = tpu.memref_slice %arg3[%dma_wait3A_105, %dma_wait3A_106] : memref<1000000x32xf32, #tpu.memory_space<hbm>> -> memref<1000000x32xf32, #tpu.memory_space<hbm>>
    tpu.wait_indirect_dma semaphore(%arg11 : memref<!tpu.dma_semaphore, #tpu.memory_space<semaphore_mem>>) src(%dma_wait3A_107 : memref<1000000x32xf32, #tpu.memory_space<hbm>>) dst(%arg7 : memref<800x32xf32, #tpu.memory_space<vmem>>)
    %add3A_108 = arith.constant 4000 : i32
    %add3A_109 = arith.addi %mul3A_2, %add3A_108 : i32
    %dma_start3A_110 = arith.constant 0 : i32
    %dma_start3A_111 = tpu.memref_slice %arg4[%add3A_109, %dma_start3A_110] : memref<819200x32xf32, #tpu.memory_space<hbm>> -> memref<800x32xf32, #tpu.memory_space<hbm>>
    %dma_start3A_112 = arith.constant 0 : i32
    %dma_start3A_113 = tpu.memref_slice %arg4[%add3A_109, %dma_start3A_112] : memref<819200x32xf32, #tpu.memory_space<hbm>> -> memref<800x32xf32, #tpu.memory_space<hbm>>
    tpu.enqueue_dma source(%arg7 : memref<800x32xf32, #tpu.memory_space<vmem>>) target(%dma_start3A_113 : memref<800x32xf32, #tpu.memory_space<hbm>>) target_semaphore(%arg15 : memref<!tpu.dma_semaphore, #tpu.memory_space<semaphore_mem>>)
    %dma_wait3A_114 = arith.constant 0 : i32
    %dma_wait3A_115 = tpu.memref_slice %arg4[%add3A_69, %dma_wait3A_114] : memref<819200x32xf32, #tpu.memory_space<hbm>> -> memref<800x32xf32, #tpu.memory_space<hbm>>
    %dma_wait3A_116 = arith.constant 0 : i32
    %dma_wait3A_117 = tpu.memref_slice %arg4[%add3A_69, %dma_wait3A_116] : memref<819200x32xf32, #tpu.memory_space<hbm>> -> memref<800x32xf32, #tpu.memory_space<hbm>>
    tpu.wait_dma2 semaphore(%arg17 : memref<!tpu.dma_semaphore, #tpu.memory_space<semaphore_mem>>) src(%arg9 : memref<800x32xf32, #tpu.memory_space<vmem>>) dst(%dma_wait3A_117 : memref<800x32xf32, #tpu.memory_space<hbm>>)
    %dma_start3A_118 = arith.constant 5600 : i32
    %dma_start3A_119 = tpu.memref_slice %arg5[%dma_start3A_118] : memref<25600xi32, #tpu.memory_space<vmem>> -> memref<800xi32, #tpu.memory_space<vmem>>
    %dma_start3A_120 = arith.constant 0 : i32
    %dma_start3A_121 = arith.constant 0 : i32
    %dma_start3A_122 = tpu.memref_slice %arg3[%dma_start3A_120, %dma_start3A_121] : memref<1000000x32xf32, #tpu.memory_space<hbm>> -> memref<1000000x32xf32, #tpu.memory_space<hbm>>
    tpu.enqueue_indirect_dma source(%dma_start3A_122 : memref<1000000x32xf32, #tpu.memory_space<hbm>>) target(%arg9 : memref<800x32xf32, #tpu.memory_space<vmem>>) offsets(%dma_start3A_119 : memref<800xi32, #tpu.memory_space<vmem>>) semaphore(%arg13 : memref<!tpu.dma_semaphore, #tpu.memory_space<semaphore_mem>>)
    %dma_wait3A_123 = arith.constant 4800 : i32
    %dma_wait3A_124 = tpu.memref_slice %arg5[%dma_wait3A_123] : memref<25600xi32, #tpu.memory_space<vmem>> -> memref<800xi32, #tpu.memory_space<vmem>>
    %dma_wait3A_125 = arith.constant 0 : i32
    %dma_wait3A_126 = arith.constant 0 : i32
    %dma_wait3A_127 = tpu.memref_slice %arg3[%dma_wait3A_125, %dma_wait3A_126] : memref<1000000x32xf32, #tpu.memory_space<hbm>> -> memref<1000000x32xf32, #tpu.memory_space<hbm>>
    tpu.wait_indirect_dma semaphore(%arg12 : memref<!tpu.dma_semaphore, #tpu.memory_space<semaphore_mem>>) src(%dma_wait3A_127 : memref<1000000x32xf32, #tpu.memory_space<hbm>>) dst(%arg8 : memref<800x32xf32, #tpu.memory_space<vmem>>)
    %add3A_128 = arith.constant 4800 : i32
    %add3A_129 = arith.addi %mul3A_2, %add3A_128 : i32
    %dma_start3A_130 = arith.constant 0 : i32
    %dma_start3A_131 = tpu.memref_slice %arg4[%add3A_129, %dma_start3A_130] : memref<819200x32xf32, #tpu.memory_space<hbm>> -> memref<800x32xf32, #tpu.memory_space<hbm>>
    %dma_start3A_132 = arith.constant 0 : i32
    %dma_start3A_133 = tpu.memref_slice %arg4[%add3A_129, %dma_start3A_132] : memref<819200x32xf32, #tpu.memory_space<hbm>> -> memref<800x32xf32, #tpu.memory_space<hbm>>
    tpu.enqueue_dma source(%arg8 : memref<800x32xf32, #tpu.memory_space<vmem>>) target(%dma_start3A_133 : memref<800x32xf32, #tpu.memory_space<hbm>>) target_semaphore(%arg16 : memref<!tpu.dma_semaphore, #tpu.memory_space<semaphore_mem>>)
    %dma_wait3A_134 = arith.constant 0 : i32
    %dma_wait3A_135 = tpu.memref_slice %arg4[%add3A_89, %dma_wait3A_134] : memref<819200x32xf32, #tpu.memory_space<hbm>> -> memref<800x32xf32, #tpu.memory_space<hbm>>
    %dma_wait3A_136 = arith.constant 0 : i32
    %dma_wait3A_137 = tpu.memref_slice %arg4[%add3A_89, %dma_wait3A_136] : memref<819200x32xf32, #tpu.memory_space<hbm>> -> memref<800x32xf32, #tpu.memory_space<hbm>>
    tpu.wait_dma2 semaphore(%arg14 : memref<!tpu.dma_semaphore, #tpu.memory_space<semaphore_mem>>) src(%arg6 : memref<800x32xf32, #tpu.memory_space<vmem>>) dst(%dma_wait3A_137 : memref<800x32xf32, #tpu.memory_space<hbm>>)
    %dma_start3A_138 = arith.constant 6400 : i32
    %dma_start3A_139 = tpu.memref_slice %arg5[%dma_start3A_138] : memref<25600xi32, #tpu.memory_space<vmem>> -> memref<800xi32, #tpu.memory_space<vmem>>
    %dma_start3A_140 = arith.constant 0 : i32
    %dma_start3A_141 = arith.constant 0 : i32
    %dma_start3A_142 = tpu.memref_slice %arg3[%dma_start3A_140, %dma_start3A_141] : memref<1000000x32xf32, #tpu.memory_space<hbm>> -> memref<1000000x32xf32, #tpu.memory_space<hbm>>
    tpu.enqueue_indirect_dma source(%dma_start3A_142 : memref<1000000x32xf32, #tpu.memory_space<hbm>>) target(%arg6 : memref<800x32xf32, #tpu.memory_space<vmem>>) offsets(%dma_start3A_139 : memref<800xi32, #tpu.memory_space<vmem>>) semaphore(%arg10 : memref<!tpu.dma_semaphore, #tpu.memory_space<semaphore_mem>>)
    %dma_wait3A_143 = arith.constant 5600 : i32
    %dma_wait3A_144 = tpu.memref_slice %arg5[%dma_wait3A_143] : memref<25600xi32, #tpu.memory_space<vmem>> -> memref<800xi32, #tpu.memory_space<vmem>>
    %dma_wait3A_145 = arith.constant 0 : i32
    %dma_wait3A_146 = arith.constant 0 : i32
    %dma_wait3A_147 = tpu.memref_slice %arg3[%dma_wait3A_145, %dma_wait3A_146] : memref<1000000x32xf32, #tpu.memory_space<hbm>> -> memref<1000000x32xf32, #tpu.memory_space<hbm>>
    tpu.wait_indirect_dma semaphore(%arg13 : memref<!tpu.dma_semaphore, #tpu.memory_space<semaphore_mem>>) src(%dma_wait3A_147 : memref<1000000x32xf32, #tpu.memory_space<hbm>>) dst(%arg9 : memref<800x32xf32, #tpu.memory_space<vmem>>)
    %add3A_148 = arith.constant 5600 : i32
    %add3A_149 = arith.addi %mul3A_2, %add3A_148 : i32
    %dma_start3A_150 = arith.constant 0 : i32
    %dma_start3A_151 = tpu.memref_slice %arg4[%add3A_149, %dma_start3A_150] : memref<819200x32xf32, #tpu.memory_space<hbm>> -> memref<800x32xf32, #tpu.memory_space<hbm>>
    %dma_start3A_152 = arith.constant 0 : i32
    %dma_start3A_153 = tpu.memref_slice %arg4[%add3A_149, %dma_start3A_152] : memref<819200x32xf32, #tpu.memory_space<hbm>> -> memref<800x32xf32, #tpu.memory_space<hbm>>
    tpu.enqueue_dma source(%arg9 : memref<800x32xf32, #tpu.memory_space<vmem>>) target(%dma_start3A_153 : memref<800x32xf32, #tpu.memory_space<hbm>>) target_semaphore(%arg17 : memref<!tpu.dma_semaphore, #tpu.memory_space<semaphore_mem>>)
    %dma_wait3A_154 = arith.constant 0 : i32
    %dma_wait3A_155 = tpu.memref_slice %arg4[%add3A_109, %dma_wait3A_154] : memref<819200x32xf32, #tpu.memory_space<hbm>> -> memref<800x32xf32, #tpu.memory_space<hbm>>
    %dma_wait3A_156 = arith.constant 0 : i32
    %dma_wait3A_157 = tpu.memref_slice %arg4[%add3A_109, %dma_wait3A_156] : memref<819200x32xf32, #tpu.memory_space<hbm>> -> memref<800x32xf32, #tpu.memory_space<hbm>>
    tpu.wait_dma2 semaphore(%arg15 : memref<!tpu.dma_semaphore, #tpu.memory_space<semaphore_mem>>) src(%arg7 : memref<800x32xf32, #tpu.memory_space<vmem>>) dst(%dma_wait3A_157 : memref<800x32xf32, #tpu.memory_space<hbm>>)
    %dma_start3A_158 = arith.constant 7200 : i32
    %dma_start3A_159 = tpu.memref_slice %arg5[%dma_start3A_158] : memref<25600xi32, #tpu.memory_space<vmem>> -> memref<800xi32, #tpu.memory_space<vmem>>
    %dma_start3A_160 = arith.constant 0 : i32
    %dma_start3A_161 = arith.constant 0 : i32
    %dma_start3A_162 = tpu.memref_slice %arg3[%dma_start3A_160, %dma_start3A_161] : memref<1000000x32xf32, #tpu.memory_space<hbm>> -> memref<1000000x32xf32, #tpu.memory_space<hbm>>
    tpu.enqueue_indirect_dma source(%dma_start3A_162 : memref<1000000x32xf32, #tpu.memory_space<hbm>>) target(%arg7 : memref<800x32xf32, #tpu.memory_space<vmem>>) offsets(%dma_start3A_159 : memref<800xi32, #tpu.memory_space<vmem>>) semaphore(%arg11 : memref<!tpu.dma_semaphore, #tpu.memory_space<semaphore_mem>>)
    %dma_wait3A_163 = arith.constant 6400 : i32
    %dma_wait3A_164 = tpu.memref_slice %arg5[%dma_wait3A_163] : memref<25600xi32, #tpu.memory_space<vmem>> -> memref<800xi32, #tpu.memory_space<vmem>>
    %dma_wait3A_165 = arith.constant 0 : i32
    %dma_wait3A_166 = arith.constant 0 : i32
    %dma_wait3A_167 = tpu.memref_slice %arg3[%dma_wait3A_165, %dma_wait3A_166] : memref<1000000x32xf32, #tpu.memory_space<hbm>> -> memref<1000000x32xf32, #tpu.memory_space<hbm>>
    tpu.wait_indirect_dma semaphore(%arg10 : memref<!tpu.dma_semaphore, #tpu.memory_space<semaphore_mem>>) src(%dma_wait3A_167 : memref<1000000x32xf32, #tpu.memory_space<hbm>>) dst(%arg6 : memref<800x32xf32, #tpu.memory_space<vmem>>)
    %add3A_168 = arith.constant 6400 : i32
    %add3A_169 = arith.addi %mul3A_2, %add3A_168 : i32
    %dma_start3A_170 = arith.constant 0 : i32
    %dma_start3A_171 = tpu.memref_slice %arg4[%add3A_169, %dma_start3A_170] : memref<819200x32xf32, #tpu.memory_space<hbm>> -> memref<800x32xf32, #tpu.memory_space<hbm>>
    %dma_start3A_172 = arith.constant 0 : i32
    %dma_start3A_173 = tpu.memref_slice %arg4[%add3A_169, %dma_start3A_172] : memref<819200x32xf32, #tpu.memory_space<hbm>> -> memref<800x32xf32, #tpu.memory_space<hbm>>
    tpu.enqueue_dma source(%arg6 : memref<800x32xf32, #tpu.memory_space<vmem>>) target(%dma_start3A_173 : memref<800x32xf32, #tpu.memory_space<hbm>>) target_semaphore(%arg14 : memref<!tpu.dma_semaphore, #tpu.memory_space<semaphore_mem>>)
    %dma_wait3A_174 = arith.constant 0 : i32
    %dma_wait3A_175 = tpu.memref_slice %arg4[%add3A_129, %dma_wait3A_174] : memref<819200x32xf32, #tpu.memory_space<hbm>> -> memref<800x32xf32, #tpu.memory_space<hbm>>
    %dma_wait3A_176 = arith.constant 0 : i32
    %dma_wait3A_177 = tpu.memref_slice %arg4[%add3A_129, %dma_wait3A_176] : memref<819200x32xf32, #tpu.memory_space<hbm>> -> memref<800x32xf32, #tpu.memory_space<hbm>>
    tpu.wait_dma2 semaphore(%arg16 : memref<!tpu.dma_semaphore, #tpu.memory_space<semaphore_mem>>) src(%arg8 : memref<800x32xf32, #tpu.memory_space<vmem>>) dst(%dma_wait3A_177 : memref<800x32xf32, #tpu.memory_space<hbm>>)
    %dma_start3A_178 = arith.constant 8000 : i32
    %dma_start3A_179 = tpu.memref_slice %arg5[%dma_start3A_178] : memref<25600xi32, #tpu.memory_space<vmem>> -> memref<800xi32, #tpu.memory_space<vmem>>
    %dma_start3A_180 = arith.constant 0 : i32
    %dma_start3A_181 = arith.constant 0 : i32
    %dma_start3A_182 = tpu.memref_slice %arg3[%dma_start3A_180, %dma_start3A_181] : memref<1000000x32xf32, #tpu.memory_space<hbm>> -> memref<1000000x32xf32, #tpu.memory_space<hbm>>
    tpu.enqueue_indirect_dma source(%dma_start3A_182 : memref<1000000x32xf32, #tpu.memory_space<hbm>>) target(%arg8 : memref<800x32xf32, #tpu.memory_space<vmem>>) offsets(%dma_start3A_179 : memref<800xi32, #tpu.memory_space<vmem>>) semaphore(%arg12 : memref<!tpu.dma_semaphore, #tpu.memory_space<semaphore_mem>>)
    %dma_wait3A_183 = arith.constant 7200 : i32
    %dma_wait3A_184 = tpu.memref_slice %arg5[%dma_wait3A_183] : memref<25600xi32, #tpu.memory_space<vmem>> -> memref<800xi32, #tpu.memory_space<vmem>>
    %dma_wait3A_185 = arith.constant 0 : i32
    %dma_wait3A_186 = arith.constant 0 : i32
    %dma_wait3A_187 = tpu.memref_slice %arg3[%dma_wait3A_185, %dma_wait3A_186] : memref<1000000x32xf32, #tpu.memory_space<hbm>> -> memref<1000000x32xf32, #tpu.memory_space<hbm>>
    tpu.wait_indirect_dma semaphore(%arg11 : memref<!tpu.dma_semaphore, #tpu.memory_space<semaphore_mem>>) src(%dma_wait3A_187 : memref<1000000x32xf32, #tpu.memory_space<hbm>>) dst(%arg7 : memref<800x32xf32, #tpu.memory_space<vmem>>)
    %add3A_188 = arith.constant 7200 : i32
    %add3A_189 = arith.addi %mul3A_2, %add3A_188 : i32
    %dma_start3A_190 = arith.constant 0 : i32
    %dma_start3A_191 = tpu.memref_slice %arg4[%add3A_189, %dma_start3A_190] : memref<819200x32xf32, #tpu.memory_space<hbm>> -> memref<800x32xf32, #tpu.memory_space<hbm>>
    %dma_start3A_192 = arith.constant 0 : i32
    %dma_start3A_193 = tpu.memref_slice %arg4[%add3A_189, %dma_start3A_192] : memref<819200x32xf32, #tpu.memory_space<hbm>> -> memref<800x32xf32, #tpu.memory_space<hbm>>
    tpu.enqueue_dma source(%arg7 : memref<800x32xf32, #tpu.memory_space<vmem>>) target(%dma_start3A_193 : memref<800x32xf32, #tpu.memory_space<hbm>>) target_semaphore(%arg15 : memref<!tpu.dma_semaphore, #tpu.memory_space<semaphore_mem>>)
    %dma_wait3A_194 = arith.constant 0 : i32
    %dma_wait3A_195 = tpu.memref_slice %arg4[%add3A_149, %dma_wait3A_194] : memref<819200x32xf32, #tpu.memory_space<hbm>> -> memref<800x32xf32, #tpu.memory_space<hbm>>
    %dma_wait3A_196 = arith.constant 0 : i32
    %dma_wait3A_197 = tpu.memref_slice %arg4[%add3A_149, %dma_wait3A_196] : memref<819200x32xf32, #tpu.memory_space<hbm>> -> memref<800x32xf32, #tpu.memory_space<hbm>>
    tpu.wait_dma2 semaphore(%arg17 : memref<!tpu.dma_semaphore, #tpu.memory_space<semaphore_mem>>) src(%arg9 : memref<800x32xf32, #tpu.memory_space<vmem>>) dst(%dma_wait3A_197 : memref<800x32xf32, #tpu.memory_space<hbm>>)
    %dma_start3A_198 = arith.constant 8800 : i32
    %dma_start3A_199 = tpu.memref_slice %arg5[%dma_start3A_198] : memref<25600xi32, #tpu.memory_space<vmem>> -> memref<800xi32, #tpu.memory_space<vmem>>
    %dma_start3A_200 = arith.constant 0 : i32
    %dma_start3A_201 = arith.constant 0 : i32
    %dma_start3A_202 = tpu.memref_slice %arg3[%dma_start3A_200, %dma_start3A_201] : memref<1000000x32xf32, #tpu.memory_space<hbm>> -> memref<1000000x32xf32, #tpu.memory_space<hbm>>
    tpu.enqueue_indirect_dma source(%dma_start3A_202 : memref<1000000x32xf32, #tpu.memory_space<hbm>>) target(%arg9 : memref<800x32xf32, #tpu.memory_space<vmem>>) offsets(%dma_start3A_199 : memref<800xi32, #tpu.memory_space<vmem>>) semaphore(%arg13 : memref<!tpu.dma_semaphore, #tpu.memory_space<semaphore_mem>>)
    %dma_wait3A_203 = arith.constant 8000 : i32
    %dma_wait3A_204 = tpu.memref_slice %arg5[%dma_wait3A_203] : memref<25600xi32, #tpu.memory_space<vmem>> -> memref<800xi32, #tpu.memory_space<vmem>>
    %dma_wait3A_205 = arith.constant 0 : i32
    %dma_wait3A_206 = arith.constant 0 : i32
    %dma_wait3A_207 = tpu.memref_slice %arg3[%dma_wait3A_205, %dma_wait3A_206] : memref<1000000x32xf32, #tpu.memory_space<hbm>> -> memref<1000000x32xf32, #tpu.memory_space<hbm>>
    tpu.wait_indirect_dma semaphore(%arg12 : memref<!tpu.dma_semaphore, #tpu.memory_space<semaphore_mem>>) src(%dma_wait3A_207 : memref<1000000x32xf32, #tpu.memory_space<hbm>>) dst(%arg8 : memref<800x32xf32, #tpu.memory_space<vmem>>)
    %add3A_208 = arith.constant 8000 : i32
    %add3A_209 = arith.addi %mul3A_2, %add3A_208 : i32
    %dma_start3A_210 = arith.constant 0 : i32
    %dma_start3A_211 = tpu.memref_slice %arg4[%add3A_209, %dma_start3A_210] : memref<819200x32xf32, #tpu.memory_space<hbm>> -> memref<800x32xf32, #tpu.memory_space<hbm>>
    %dma_start3A_212 = arith.constant 0 : i32
    %dma_start3A_213 = tpu.memref_slice %arg4[%add3A_209, %dma_start3A_212] : memref<819200x32xf32, #tpu.memory_space<hbm>> -> memref<800x32xf32, #tpu.memory_space<hbm>>
    tpu.enqueue_dma source(%arg8 : memref<800x32xf32, #tpu.memory_space<vmem>>) target(%dma_start3A_213 : memref<800x32xf32, #tpu.memory_space<hbm>>) target_semaphore(%arg16 : memref<!tpu.dma_semaphore, #tpu.memory_space<semaphore_mem>>)
    %dma_wait3A_214 = arith.constant 0 : i32
    %dma_wait3A_215 = tpu.memref_slice %arg4[%add3A_169, %dma_wait3A_214] : memref<819200x32xf32, #tpu.memory_space<hbm>> -> memref<800x32xf32, #tpu.memory_space<hbm>>
    %dma_wait3A_216 = arith.constant 0 : i32
    %dma_wait3A_217 = tpu.memref_slice %arg4[%add3A_169, %dma_wait3A_216] : memref<819200x32xf32, #tpu.memory_space<hbm>> -> memref<800x32xf32, #tpu.memory_space<hbm>>
    tpu.wait_dma2 semaphore(%arg14 : memref<!tpu.dma_semaphore, #tpu.memory_space<semaphore_mem>>) src(%arg6 : memref<800x32xf32, #tpu.memory_space<vmem>>) dst(%dma_wait3A_217 : memref<800x32xf32, #tpu.memory_space<hbm>>)
    %dma_start3A_218 = arith.constant 9600 : i32
    %dma_start3A_219 = tpu.memref_slice %arg5[%dma_start3A_218] : memref<25600xi32, #tpu.memory_space<vmem>> -> memref<800xi32, #tpu.memory_space<vmem>>
    %dma_start3A_220 = arith.constant 0 : i32
    %dma_start3A_221 = arith.constant 0 : i32
    %dma_start3A_222 = tpu.memref_slice %arg3[%dma_start3A_220, %dma_start3A_221] : memref<1000000x32xf32, #tpu.memory_space<hbm>> -> memref<1000000x32xf32, #tpu.memory_space<hbm>>
    tpu.enqueue_indirect_dma source(%dma_start3A_222 : memref<1000000x32xf32, #tpu.memory_space<hbm>>) target(%arg6 : memref<800x32xf32, #tpu.memory_space<vmem>>) offsets(%dma_start3A_219 : memref<800xi32, #tpu.memory_space<vmem>>) semaphore(%arg10 : memref<!tpu.dma_semaphore, #tpu.memory_space<semaphore_mem>>)
    %dma_wait3A_223 = arith.constant 8800 : i32
    %dma_wait3A_224 = tpu.memref_slice %arg5[%dma_wait3A_223] : memref<25600xi32, #tpu.memory_space<vmem>> -> memref<800xi32, #tpu.memory_space<vmem>>
    %dma_wait3A_225 = arith.constant 0 : i32
    %dma_wait3A_226 = arith.constant 0 : i32
    %dma_wait3A_227 = tpu.memref_slice %arg3[%dma_wait3A_225, %dma_wait3A_226] : memref<1000000x32xf32, #tpu.memory_space<hbm>> -> memref<1000000x32xf32, #tpu.memory_space<hbm>>
    tpu.wait_indirect_dma semaphore(%arg13 : memref<!tpu.dma_semaphore, #tpu.memory_space<semaphore_mem>>) src(%dma_wait3A_227 : memref<1000000x32xf32, #tpu.memory_space<hbm>>) dst(%arg9 : memref<800x32xf32, #tpu.memory_space<vmem>>)
    %add3A_228 = arith.constant 8800 : i32
    %add3A_229 = arith.addi %mul3A_2, %add3A_228 : i32
    %dma_start3A_230 = arith.constant 0 : i32
    %dma_start3A_231 = tpu.memref_slice %arg4[%add3A_229, %dma_start3A_230] : memref<819200x32xf32, #tpu.memory_space<hbm>> -> memref<800x32xf32, #tpu.memory_space<hbm>>
    %dma_start3A_232 = arith.constant 0 : i32
    %dma_start3A_233 = tpu.memref_slice %arg4[%add3A_229, %dma_start3A_232] : memref<819200x32xf32, #tpu.memory_space<hbm>> -> memref<800x32xf32, #tpu.memory_space<hbm>>
    tpu.enqueue_dma source(%arg9 : memref<800x32xf32, #tpu.memory_space<vmem>>) target(%dma_start3A_233 : memref<800x32xf32, #tpu.memory_space<hbm>>) target_semaphore(%arg17 : memref<!tpu.dma_semaphore, #tpu.memory_space<semaphore_mem>>)
    %dma_wait3A_234 = arith.constant 0 : i32
    %dma_wait3A_235 = tpu.memref_slice %arg4[%add3A_189, %dma_wait3A_234] : memref<819200x32xf32, #tpu.memory_space<hbm>> -> memref<800x32xf32, #tpu.memory_space<hbm>>
    %dma_wait3A_236 = arith.constant 0 : i32
    %dma_wait3A_237 = tpu.memref_slice %arg4[%add3A_189, %dma_wait3A_236] : memref<819200x32xf32, #tpu.memory_space<hbm>> -> memref<800x32xf32, #tpu.memory_space<hbm>>
    tpu.wait_dma2 semaphore(%arg15 : memref<!tpu.dma_semaphore, #tpu.memory_space<semaphore_mem>>) src(%arg7 : memref<800x32xf32, #tpu.memory_space<vmem>>) dst(%dma_wait3A_237 : memref<800x32xf32, #tpu.memory_space<hbm>>)
    %dma_start3A_238 = arith.constant 10400 : i32
    %dma_start3A_239 = tpu.memref_slice %arg5[%dma_start3A_238] : memref<25600xi32, #tpu.memory_space<vmem>> -> memref<800xi32, #tpu.memory_space<vmem>>
    %dma_start3A_240 = arith.constant 0 : i32
    %dma_start3A_241 = arith.constant 0 : i32
    %dma_start3A_242 = tpu.memref_slice %arg3[%dma_start3A_240, %dma_start3A_241] : memref<1000000x32xf32, #tpu.memory_space<hbm>> -> memref<1000000x32xf32, #tpu.memory_space<hbm>>
    tpu.enqueue_indirect_dma source(%dma_start3A_242 : memref<1000000x32xf32, #tpu.memory_space<hbm>>) target(%arg7 : memref<800x32xf32, #tpu.memory_space<vmem>>) offsets(%dma_start3A_239 : memref<800xi32, #tpu.memory_space<vmem>>) semaphore(%arg11 : memref<!tpu.dma_semaphore, #tpu.memory_space<semaphore_mem>>)
    %dma_wait3A_243 = arith.constant 9600 : i32
    %dma_wait3A_244 = tpu.memref_slice %arg5[%dma_wait3A_243] : memref<25600xi32, #tpu.memory_space<vmem>> -> memref<800xi32, #tpu.memory_space<vmem>>
    %dma_wait3A_245 = arith.constant 0 : i32
    %dma_wait3A_246 = arith.constant 0 : i32
    %dma_wait3A_247 = tpu.memref_slice %arg3[%dma_wait3A_245, %dma_wait3A_246] : memref<1000000x32xf32, #tpu.memory_space<hbm>> -> memref<1000000x32xf32, #tpu.memory_space<hbm>>
    tpu.wait_indirect_dma semaphore(%arg10 : memref<!tpu.dma_semaphore, #tpu.memory_space<semaphore_mem>>) src(%dma_wait3A_247 : memref<1000000x32xf32, #tpu.memory_space<hbm>>) dst(%arg6 : memref<800x32xf32, #tpu.memory_space<vmem>>)
    %add3A_248 = arith.constant 9600 : i32
    %add3A_249 = arith.addi %mul3A_2, %add3A_248 : i32
    %dma_start3A_250 = arith.constant 0 : i32
    %dma_start3A_251 = tpu.memref_slice %arg4[%add3A_249, %dma_start3A_250] : memref<819200x32xf32, #tpu.memory_space<hbm>> -> memref<800x32xf32, #tpu.memory_space<hbm>>
    %dma_start3A_252 = arith.constant 0 : i32
    %dma_start3A_253 = tpu.memref_slice %arg4[%add3A_249, %dma_start3A_252] : memref<819200x32xf32, #tpu.memory_space<hbm>> -> memref<800x32xf32, #tpu.memory_space<hbm>>
    tpu.enqueue_dma source(%arg6 : memref<800x32xf32, #tpu.memory_space<vmem>>) target(%dma_start3A_253 : memref<800x32xf32, #tpu.memory_space<hbm>>) target_semaphore(%arg14 : memref<!tpu.dma_semaphore, #tpu.memory_space<semaphore_mem>>)
    %dma_wait3A_254 = arith.constant 0 : i32
    %dma_wait3A_255 = tpu.memref_slice %arg4[%add3A_209, %dma_wait3A_254] : memref<819200x32xf32, #tpu.memory_space<hbm>> -> memref<800x32xf32, #tpu.memory_space<hbm>>
    %dma_wait3A_256 = arith.constant 0 : i32
    %dma_wait3A_257 = tpu.memref_slice %arg4[%add3A_209, %dma_wait3A_256] : memref<819200x32xf32, #tpu.memory_space<hbm>> -> memref<800x32xf32, #tpu.memory_space<hbm>>
    tpu.wait_dma2 semaphore(%arg16 : memref<!tpu.dma_semaphore, #tpu.memory_space<semaphore_mem>>) src(%arg8 : memref<800x32xf32, #tpu.memory_space<vmem>>) dst(%dma_wait3A_257 : memref<800x32xf32, #tpu.memory_space<hbm>>)
    %dma_start3A_258 = arith.constant 11200 : i32
    %dma_start3A_259 = tpu.memref_slice %arg5[%dma_start3A_258] : memref<25600xi32, #tpu.memory_space<vmem>> -> memref<800xi32, #tpu.memory_space<vmem>>
    %dma_start3A_260 = arith.constant 0 : i32
    %dma_start3A_261 = arith.constant 0 : i32
    %dma_start3A_262 = tpu.memref_slice %arg3[%dma_start3A_260, %dma_start3A_261] : memref<1000000x32xf32, #tpu.memory_space<hbm>> -> memref<1000000x32xf32, #tpu.memory_space<hbm>>
    tpu.enqueue_indirect_dma source(%dma_start3A_262 : memref<1000000x32xf32, #tpu.memory_space<hbm>>) target(%arg8 : memref<800x32xf32, #tpu.memory_space<vmem>>) offsets(%dma_start3A_259 : memref<800xi32, #tpu.memory_space<vmem>>) semaphore(%arg12 : memref<!tpu.dma_semaphore, #tpu.memory_space<semaphore_mem>>)
    %dma_wait3A_263 = arith.constant 10400 : i32
    %dma_wait3A_264 = tpu.memref_slice %arg5[%dma_wait3A_263] : memref<25600xi32, #tpu.memory_space<vmem>> -> memref<800xi32, #tpu.memory_space<vmem>>
    %dma_wait3A_265 = arith.constant 0 : i32
    %dma_wait3A_266 = arith.constant 0 : i32
    %dma_wait3A_267 = tpu.memref_slice %arg3[%dma_wait3A_265, %dma_wait3A_266] : memref<1000000x32xf32, #tpu.memory_space<hbm>> -> memref<1000000x32xf32, #tpu.memory_space<hbm>>
    tpu.wait_indirect_dma semaphore(%arg11 : memref<!tpu.dma_semaphore, #tpu.memory_space<semaphore_mem>>) src(%dma_wait3A_267 : memref<1000000x32xf32, #tpu.memory_space<hbm>>) dst(%arg7 : memref<800x32xf32, #tpu.memory_space<vmem>>)
    %add3A_268 = arith.constant 10400 : i32
    %add3A_269 = arith.addi %mul3A_2, %add3A_268 : i32
    %dma_start3A_270 = arith.constant 0 : i32
    %dma_start3A_271 = tpu.memref_slice %arg4[%add3A_269, %dma_start3A_270] : memref<819200x32xf32, #tpu.memory_space<hbm>> -> memref<800x32xf32, #tpu.memory_space<hbm>>
    %dma_start3A_272 = arith.constant 0 : i32
    %dma_start3A_273 = tpu.memref_slice %arg4[%add3A_269, %dma_start3A_272] : memref<819200x32xf32, #tpu.memory_space<hbm>> -> memref<800x32xf32, #tpu.memory_space<hbm>>
    tpu.enqueue_dma source(%arg7 : memref<800x32xf32, #tpu.memory_space<vmem>>) target(%dma_start3A_273 : memref<800x32xf32, #tpu.memory_space<hbm>>) target_semaphore(%arg15 : memref<!tpu.dma_semaphore, #tpu.memory_space<semaphore_mem>>)
    %dma_wait3A_274 = arith.constant 0 : i32
    %dma_wait3A_275 = tpu.memref_slice %arg4[%add3A_229, %dma_wait3A_274] : memref<819200x32xf32, #tpu.memory_space<hbm>> -> memref<800x32xf32, #tpu.memory_space<hbm>>
    %dma_wait3A_276 = arith.constant 0 : i32
    %dma_wait3A_277 = tpu.memref_slice %arg4[%add3A_229, %dma_wait3A_276] : memref<819200x32xf32, #tpu.memory_space<hbm>> -> memref<800x32xf32, #tpu.memory_space<hbm>>
    tpu.wait_dma2 semaphore(%arg17 : memref<!tpu.dma_semaphore, #tpu.memory_space<semaphore_mem>>) src(%arg9 : memref<800x32xf32, #tpu.memory_space<vmem>>) dst(%dma_wait3A_277 : memref<800x32xf32, #tpu.memory_space<hbm>>)
    %dma_start3A_278 = arith.constant 12000 : i32
    %dma_start3A_279 = tpu.memref_slice %arg5[%dma_start3A_278] : memref<25600xi32, #tpu.memory_space<vmem>> -> memref<800xi32, #tpu.memory_space<vmem>>
    %dma_start3A_280 = arith.constant 0 : i32
    %dma_start3A_281 = arith.constant 0 : i32
    %dma_start3A_282 = tpu.memref_slice %arg3[%dma_start3A_280, %dma_start3A_281] : memref<1000000x32xf32, #tpu.memory_space<hbm>> -> memref<1000000x32xf32, #tpu.memory_space<hbm>>
    tpu.enqueue_indirect_dma source(%dma_start3A_282 : memref<1000000x32xf32, #tpu.memory_space<hbm>>) target(%arg9 : memref<800x32xf32, #tpu.memory_space<vmem>>) offsets(%dma_start3A_279 : memref<800xi32, #tpu.memory_space<vmem>>) semaphore(%arg13 : memref<!tpu.dma_semaphore, #tpu.memory_space<semaphore_mem>>)
    %dma_wait3A_283 = arith.constant 11200 : i32
    %dma_wait3A_284 = tpu.memref_slice %arg5[%dma_wait3A_283] : memref<25600xi32, #tpu.memory_space<vmem>> -> memref<800xi32, #tpu.memory_space<vmem>>
    %dma_wait3A_285 = arith.constant 0 : i32
    %dma_wait3A_286 = arith.constant 0 : i32
    %dma_wait3A_287 = tpu.memref_slice %arg3[%dma_wait3A_285, %dma_wait3A_286] : memref<1000000x32xf32, #tpu.memory_space<hbm>> -> memref<1000000x32xf32, #tpu.memory_space<hbm>>
    tpu.wait_indirect_dma semaphore(%arg12 : memref<!tpu.dma_semaphore, #tpu.memory_space<semaphore_mem>>) src(%dma_wait3A_287 : memref<1000000x32xf32, #tpu.memory_space<hbm>>) dst(%arg8 : memref<800x32xf32, #tpu.memory_space<vmem>>)
    %add3A_288 = arith.constant 11200 : i32
    %add3A_289 = arith.addi %mul3A_2, %add3A_288 : i32
    %dma_start3A_290 = arith.constant 0 : i32
    %dma_start3A_291 = tpu.memref_slice %arg4[%add3A_289, %dma_start3A_290] : memref<819200x32xf32, #tpu.memory_space<hbm>> -> memref<800x32xf32, #tpu.memory_space<hbm>>
    %dma_start3A_292 = arith.constant 0 : i32
    %dma_start3A_293 = tpu.memref_slice %arg4[%add3A_289, %dma_start3A_292] : memref<819200x32xf32, #tpu.memory_space<hbm>> -> memref<800x32xf32, #tpu.memory_space<hbm>>
    tpu.enqueue_dma source(%arg8 : memref<800x32xf32, #tpu.memory_space<vmem>>) target(%dma_start3A_293 : memref<800x32xf32, #tpu.memory_space<hbm>>) target_semaphore(%arg16 : memref<!tpu.dma_semaphore, #tpu.memory_space<semaphore_mem>>)
    %dma_wait3A_294 = arith.constant 0 : i32
    %dma_wait3A_295 = tpu.memref_slice %arg4[%add3A_249, %dma_wait3A_294] : memref<819200x32xf32, #tpu.memory_space<hbm>> -> memref<800x32xf32, #tpu.memory_space<hbm>>
    %dma_wait3A_296 = arith.constant 0 : i32
    %dma_wait3A_297 = tpu.memref_slice %arg4[%add3A_249, %dma_wait3A_296] : memref<819200x32xf32, #tpu.memory_space<hbm>> -> memref<800x32xf32, #tpu.memory_space<hbm>>
    tpu.wait_dma2 semaphore(%arg14 : memref<!tpu.dma_semaphore, #tpu.memory_space<semaphore_mem>>) src(%arg6 : memref<800x32xf32, #tpu.memory_space<vmem>>) dst(%dma_wait3A_297 : memref<800x32xf32, #tpu.memory_space<hbm>>)
    %dma_start3A_298 = arith.constant 12800 : i32
    %dma_start3A_299 = tpu.memref_slice %arg5[%dma_start3A_298] : memref<25600xi32, #tpu.memory_space<vmem>> -> memref<800xi32, #tpu.memory_space<vmem>>
    %dma_start3A_300 = arith.constant 0 : i32
    %dma_start3A_301 = arith.constant 0 : i32
    %dma_start3A_302 = tpu.memref_slice %arg3[%dma_start3A_300, %dma_start3A_301] : memref<1000000x32xf32, #tpu.memory_space<hbm>> -> memref<1000000x32xf32, #tpu.memory_space<hbm>>
    tpu.enqueue_indirect_dma source(%dma_start3A_302 : memref<1000000x32xf32, #tpu.memory_space<hbm>>) target(%arg6 : memref<800x32xf32, #tpu.memory_space<vmem>>) offsets(%dma_start3A_299 : memref<800xi32, #tpu.memory_space<vmem>>) semaphore(%arg10 : memref<!tpu.dma_semaphore, #tpu.memory_space<semaphore_mem>>)
    %dma_wait3A_303 = arith.constant 12000 : i32
    %dma_wait3A_304 = tpu.memref_slice %arg5[%dma_wait3A_303] : memref<25600xi32, #tpu.memory_space<vmem>> -> memref<800xi32, #tpu.memory_space<vmem>>
    %dma_wait3A_305 = arith.constant 0 : i32
    %dma_wait3A_306 = arith.constant 0 : i32
    %dma_wait3A_307 = tpu.memref_slice %arg3[%dma_wait3A_305, %dma_wait3A_306] : memref<1000000x32xf32, #tpu.memory_space<hbm>> -> memref<1000000x32xf32, #tpu.memory_space<hbm>>
    tpu.wait_indirect_dma semaphore(%arg13 : memref<!tpu.dma_semaphore, #tpu.memory_space<semaphore_mem>>) src(%dma_wait3A_307 : memref<1000000x32xf32, #tpu.memory_space<hbm>>) dst(%arg9 : memref<800x32xf32, #tpu.memory_space<vmem>>)
    %add3A_308 = arith.constant 12000 : i32
    %add3A_309 = arith.addi %mul3A_2, %add3A_308 : i32
    %dma_start3A_310 = arith.constant 0 : i32
    %dma_start3A_311 = tpu.memref_slice %arg4[%add3A_309, %dma_start3A_310] : memref<819200x32xf32, #tpu.memory_space<hbm>> -> memref<800x32xf32, #tpu.memory_space<hbm>>
    %dma_start3A_312 = arith.constant 0 : i32
    %dma_start3A_313 = tpu.memref_slice %arg4[%add3A_309, %dma_start3A_312] : memref<819200x32xf32, #tpu.memory_space<hbm>> -> memref<800x32xf32, #tpu.memory_space<hbm>>
    tpu.enqueue_dma source(%arg9 : memref<800x32xf32, #tpu.memory_space<vmem>>) target(%dma_start3A_313 : memref<800x32xf32, #tpu.memory_space<hbm>>) target_semaphore(%arg17 : memref<!tpu.dma_semaphore, #tpu.memory_space<semaphore_mem>>)
    %dma_wait3A_314 = arith.constant 0 : i32
    %dma_wait3A_315 = tpu.memref_slice %arg4[%add3A_269, %dma_wait3A_314] : memref<819200x32xf32, #tpu.memory_space<hbm>> -> memref<800x32xf32, #tpu.memory_space<hbm>>
    %dma_wait3A_316 = arith.constant 0 : i32
    %dma_wait3A_317 = tpu.memref_slice %arg4[%add3A_269, %dma_wait3A_316] : memref<819200x32xf32, #tpu.memory_space<hbm>> -> memref<800x32xf32, #tpu.memory_space<hbm>>
    tpu.wait_dma2 semaphore(%arg15 : memref<!tpu.dma_semaphore, #tpu.memory_space<semaphore_mem>>) src(%arg7 : memref<800x32xf32, #tpu.memory_space<vmem>>) dst(%dma_wait3A_317 : memref<800x32xf32, #tpu.memory_space<hbm>>)
    %dma_start3A_318 = arith.constant 13600 : i32
    %dma_start3A_319 = tpu.memref_slice %arg5[%dma_start3A_318] : memref<25600xi32, #tpu.memory_space<vmem>> -> memref<800xi32, #tpu.memory_space<vmem>>
    %dma_start3A_320 = arith.constant 0 : i32
    %dma_start3A_321 = arith.constant 0 : i32
    %dma_start3A_322 = tpu.memref_slice %arg3[%dma_start3A_320, %dma_start3A_321] : memref<1000000x32xf32, #tpu.memory_space<hbm>> -> memref<1000000x32xf32, #tpu.memory_space<hbm>>
    tpu.enqueue_indirect_dma source(%dma_start3A_322 : memref<1000000x32xf32, #tpu.memory_space<hbm>>) target(%arg7 : memref<800x32xf32, #tpu.memory_space<vmem>>) offsets(%dma_start3A_319 : memref<800xi32, #tpu.memory_space<vmem>>) semaphore(%arg11 : memref<!tpu.dma_semaphore, #tpu.memory_space<semaphore_mem>>)
    %dma_wait3A_323 = arith.constant 12800 : i32
    %dma_wait3A_324 = tpu.memref_slice %arg5[%dma_wait3A_323] : memref<25600xi32, #tpu.memory_space<vmem>> -> memref<800xi32, #tpu.memory_space<vmem>>
    %dma_wait3A_325 = arith.constant 0 : i32
    %dma_wait3A_326 = arith.constant 0 : i32
    %dma_wait3A_327 = tpu.memref_slice %arg3[%dma_wait3A_325, %dma_wait3A_326] : memref<1000000x32xf32, #tpu.memory_space<hbm>> -> memref<1000000x32xf32, #tpu.memory_space<hbm>>
    tpu.wait_indirect_dma semaphore(%arg10 : memref<!tpu.dma_semaphore, #tpu.memory_space<semaphore_mem>>) src(%dma_wait3A_327 : memref<1000000x32xf32, #tpu.memory_space<hbm>>) dst(%arg6 : memref<800x32xf32, #tpu.memory_space<vmem>>)
    %add3A_328 = arith.constant 12800 : i32
    %add3A_329 = arith.addi %mul3A_2, %add3A_328 : i32
    %dma_start3A_330 = arith.constant 0 : i32
    %dma_start3A_331 = tpu.memref_slice %arg4[%add3A_329, %dma_start3A_330] : memref<819200x32xf32, #tpu.memory_space<hbm>> -> memref<800x32xf32, #tpu.memory_space<hbm>>
    %dma_start3A_332 = arith.constant 0 : i32
    %dma_start3A_333 = tpu.memref_slice %arg4[%add3A_329, %dma_start3A_332] : memref<819200x32xf32, #tpu.memory_space<hbm>> -> memref<800x32xf32, #tpu.memory_space<hbm>>
    tpu.enqueue_dma source(%arg6 : memref<800x32xf32, #tpu.memory_space<vmem>>) target(%dma_start3A_333 : memref<800x32xf32, #tpu.memory_space<hbm>>) target_semaphore(%arg14 : memref<!tpu.dma_semaphore, #tpu.memory_space<semaphore_mem>>)
    %dma_wait3A_334 = arith.constant 0 : i32
    %dma_wait3A_335 = tpu.memref_slice %arg4[%add3A_289, %dma_wait3A_334] : memref<819200x32xf32, #tpu.memory_space<hbm>> -> memref<800x32xf32, #tpu.memory_space<hbm>>
    %dma_wait3A_336 = arith.constant 0 : i32
    %dma_wait3A_337 = tpu.memref_slice %arg4[%add3A_289, %dma_wait3A_336] : memref<819200x32xf32, #tpu.memory_space<hbm>> -> memref<800x32xf32, #tpu.memory_space<hbm>>
    tpu.wait_dma2 semaphore(%arg16 : memref<!tpu.dma_semaphore, #tpu.memory_space<semaphore_mem>>) src(%arg8 : memref<800x32xf32, #tpu.memory_space<vmem>>) dst(%dma_wait3A_337 : memref<800x32xf32, #tpu.memory_space<hbm>>)
    %dma_start3A_338 = arith.constant 14400 : i32
    %dma_start3A_339 = tpu.memref_slice %arg5[%dma_start3A_338] : memref<25600xi32, #tpu.memory_space<vmem>> -> memref<800xi32, #tpu.memory_space<vmem>>
    %dma_start3A_340 = arith.constant 0 : i32
    %dma_start3A_341 = arith.constant 0 : i32
    %dma_start3A_342 = tpu.memref_slice %arg3[%dma_start3A_340, %dma_start3A_341] : memref<1000000x32xf32, #tpu.memory_space<hbm>> -> memref<1000000x32xf32, #tpu.memory_space<hbm>>
    tpu.enqueue_indirect_dma source(%dma_start3A_342 : memref<1000000x32xf32, #tpu.memory_space<hbm>>) target(%arg8 : memref<800x32xf32, #tpu.memory_space<vmem>>) offsets(%dma_start3A_339 : memref<800xi32, #tpu.memory_space<vmem>>) semaphore(%arg12 : memref<!tpu.dma_semaphore, #tpu.memory_space<semaphore_mem>>)
    %dma_wait3A_343 = arith.constant 13600 : i32
    %dma_wait3A_344 = tpu.memref_slice %arg5[%dma_wait3A_343] : memref<25600xi32, #tpu.memory_space<vmem>> -> memref<800xi32, #tpu.memory_space<vmem>>
    %dma_wait3A_345 = arith.constant 0 : i32
    %dma_wait3A_346 = arith.constant 0 : i32
    %dma_wait3A_347 = tpu.memref_slice %arg3[%dma_wait3A_345, %dma_wait3A_346] : memref<1000000x32xf32, #tpu.memory_space<hbm>> -> memref<1000000x32xf32, #tpu.memory_space<hbm>>
    tpu.wait_indirect_dma semaphore(%arg11 : memref<!tpu.dma_semaphore, #tpu.memory_space<semaphore_mem>>) src(%dma_wait3A_347 : memref<1000000x32xf32, #tpu.memory_space<hbm>>) dst(%arg7 : memref<800x32xf32, #tpu.memory_space<vmem>>)
    %add3A_348 = arith.constant 13600 : i32
    %add3A_349 = arith.addi %mul3A_2, %add3A_348 : i32
    %dma_start3A_350 = arith.constant 0 : i32
    %dma_start3A_351 = tpu.memref_slice %arg4[%add3A_349, %dma_start3A_350] : memref<819200x32xf32, #tpu.memory_space<hbm>> -> memref<800x32xf32, #tpu.memory_space<hbm>>
    %dma_start3A_352 = arith.constant 0 : i32
    %dma_start3A_353 = tpu.memref_slice %arg4[%add3A_349, %dma_start3A_352] : memref<819200x32xf32, #tpu.memory_space<hbm>> -> memref<800x32xf32, #tpu.memory_space<hbm>>
    tpu.enqueue_dma source(%arg7 : memref<800x32xf32, #tpu.memory_space<vmem>>) target(%dma_start3A_353 : memref<800x32xf32, #tpu.memory_space<hbm>>) target_semaphore(%arg15 : memref<!tpu.dma_semaphore, #tpu.memory_space<semaphore_mem>>)
    %dma_wait3A_354 = arith.constant 0 : i32
    %dma_wait3A_355 = tpu.memref_slice %arg4[%add3A_309, %dma_wait3A_354] : memref<819200x32xf32, #tpu.memory_space<hbm>> -> memref<800x32xf32, #tpu.memory_space<hbm>>
    %dma_wait3A_356 = arith.constant 0 : i32
    %dma_wait3A_357 = tpu.memref_slice %arg4[%add3A_309, %dma_wait3A_356] : memref<819200x32xf32, #tpu.memory_space<hbm>> -> memref<800x32xf32, #tpu.memory_space<hbm>>
    tpu.wait_dma2 semaphore(%arg17 : memref<!tpu.dma_semaphore, #tpu.memory_space<semaphore_mem>>) src(%arg9 : memref<800x32xf32, #tpu.memory_space<vmem>>) dst(%dma_wait3A_357 : memref<800x32xf32, #tpu.memory_space<hbm>>)
    %dma_start3A_358 = arith.constant 15200 : i32
    %dma_start3A_359 = tpu.memref_slice %arg5[%dma_start3A_358] : memref<25600xi32, #tpu.memory_space<vmem>> -> memref<800xi32, #tpu.memory_space<vmem>>
    %dma_start3A_360 = arith.constant 0 : i32
    %dma_start3A_361 = arith.constant 0 : i32
    %dma_start3A_362 = tpu.memref_slice %arg3[%dma_start3A_360, %dma_start3A_361] : memref<1000000x32xf32, #tpu.memory_space<hbm>> -> memref<1000000x32xf32, #tpu.memory_space<hbm>>
    tpu.enqueue_indirect_dma source(%dma_start3A_362 : memref<1000000x32xf32, #tpu.memory_space<hbm>>) target(%arg9 : memref<800x32xf32, #tpu.memory_space<vmem>>) offsets(%dma_start3A_359 : memref<800xi32, #tpu.memory_space<vmem>>) semaphore(%arg13 : memref<!tpu.dma_semaphore, #tpu.memory_space<semaphore_mem>>)
    %dma_wait3A_363 = arith.constant 14400 : i32
    %dma_wait3A_364 = tpu.memref_slice %arg5[%dma_wait3A_363] : memref<25600xi32, #tpu.memory_space<vmem>> -> memref<800xi32, #tpu.memory_space<vmem>>
    %dma_wait3A_365 = arith.constant 0 : i32
    %dma_wait3A_366 = arith.constant 0 : i32
    %dma_wait3A_367 = tpu.memref_slice %arg3[%dma_wait3A_365, %dma_wait3A_366] : memref<1000000x32xf32, #tpu.memory_space<hbm>> -> memref<1000000x32xf32, #tpu.memory_space<hbm>>
    tpu.wait_indirect_dma semaphore(%arg12 : memref<!tpu.dma_semaphore, #tpu.memory_space<semaphore_mem>>) src(%dma_wait3A_367 : memref<1000000x32xf32, #tpu.memory_space<hbm>>) dst(%arg8 : memref<800x32xf32, #tpu.memory_space<vmem>>)
    %add3A_368 = arith.constant 14400 : i32
    %add3A_369 = arith.addi %mul3A_2, %add3A_368 : i32
    %dma_start3A_370 = arith.constant 0 : i32
    %dma_start3A_371 = tpu.memref_slice %arg4[%add3A_369, %dma_start3A_370] : memref<819200x32xf32, #tpu.memory_space<hbm>> -> memref<800x32xf32, #tpu.memory_space<hbm>>
    %dma_start3A_372 = arith.constant 0 : i32
    %dma_start3A_373 = tpu.memref_slice %arg4[%add3A_369, %dma_start3A_372] : memref<819200x32xf32, #tpu.memory_space<hbm>> -> memref<800x32xf32, #tpu.memory_space<hbm>>
    tpu.enqueue_dma source(%arg8 : memref<800x32xf32, #tpu.memory_space<vmem>>) target(%dma_start3A_373 : memref<800x32xf32, #tpu.memory_space<hbm>>) target_semaphore(%arg16 : memref<!tpu.dma_semaphore, #tpu.memory_space<semaphore_mem>>)
    %dma_wait3A_374 = arith.constant 0 : i32
    %dma_wait3A_375 = tpu.memref_slice %arg4[%add3A_329, %dma_wait3A_374] : memref<819200x32xf32, #tpu.memory_space<hbm>> -> memref<800x32xf32, #tpu.memory_space<hbm>>
    %dma_wait3A_376 = arith.constant 0 : i32
    %dma_wait3A_377 = tpu.memref_slice %arg4[%add3A_329, %dma_wait3A_376] : memref<819200x32xf32, #tpu.memory_space<hbm>> -> memref<800x32xf32, #tpu.memory_space<hbm>>
    tpu.wait_dma2 semaphore(%arg14 : memref<!tpu.dma_semaphore, #tpu.memory_space<semaphore_mem>>) src(%arg6 : memref<800x32xf32, #tpu.memory_space<vmem>>) dst(%dma_wait3A_377 : memref<800x32xf32, #tpu.memory_space<hbm>>)
    %dma_start3A_378 = arith.constant 16000 : i32
    %dma_start3A_379 = tpu.memref_slice %arg5[%dma_start3A_378] : memref<25600xi32, #tpu.memory_space<vmem>> -> memref<800xi32, #tpu.memory_space<vmem>>
    %dma_start3A_380 = arith.constant 0 : i32
    %dma_start3A_381 = arith.constant 0 : i32
    %dma_start3A_382 = tpu.memref_slice %arg3[%dma_start3A_380, %dma_start3A_381] : memref<1000000x32xf32, #tpu.memory_space<hbm>> -> memref<1000000x32xf32, #tpu.memory_space<hbm>>
    tpu.enqueue_indirect_dma source(%dma_start3A_382 : memref<1000000x32xf32, #tpu.memory_space<hbm>>) target(%arg6 : memref<800x32xf32, #tpu.memory_space<vmem>>) offsets(%dma_start3A_379 : memref<800xi32, #tpu.memory_space<vmem>>) semaphore(%arg10 : memref<!tpu.dma_semaphore, #tpu.memory_space<semaphore_mem>>)
    %dma_wait3A_383 = arith.constant 15200 : i32
    %dma_wait3A_384 = tpu.memref_slice %arg5[%dma_wait3A_383] : memref<25600xi32, #tpu.memory_space<vmem>> -> memref<800xi32, #tpu.memory_space<vmem>>
    %dma_wait3A_385 = arith.constant 0 : i32
    %dma_wait3A_386 = arith.constant 0 : i32
    %dma_wait3A_387 = tpu.memref_slice %arg3[%dma_wait3A_385, %dma_wait3A_386] : memref<1000000x32xf32, #tpu.memory_space<hbm>> -> memref<1000000x32xf32, #tpu.memory_space<hbm>>
    tpu.wait_indirect_dma semaphore(%arg13 : memref<!tpu.dma_semaphore, #tpu.memory_space<semaphore_mem>>) src(%dma_wait3A_387 : memref<1000000x32xf32, #tpu.memory_space<hbm>>) dst(%arg9 : memref<800x32xf32, #tpu.memory_space<vmem>>)
    %add3A_388 = arith.constant 15200 : i32
    %add3A_389 = arith.addi %mul3A_2, %add3A_388 : i32
    %dma_start3A_390 = arith.constant 0 : i32
    %dma_start3A_391 = tpu.memref_slice %arg4[%add3A_389, %dma_start3A_390] : memref<819200x32xf32, #tpu.memory_space<hbm>> -> memref<800x32xf32, #tpu.memory_space<hbm>>
    %dma_start3A_392 = arith.constant 0 : i32
    %dma_start3A_393 = tpu.memref_slice %arg4[%add3A_389, %dma_start3A_392] : memref<819200x32xf32, #tpu.memory_space<hbm>> -> memref<800x32xf32, #tpu.memory_space<hbm>>
    tpu.enqueue_dma source(%arg9 : memref<800x32xf32, #tpu.memory_space<vmem>>) target(%dma_start3A_393 : memref<800x32xf32, #tpu.memory_space<hbm>>) target_semaphore(%arg17 : memref<!tpu.dma_semaphore, #tpu.memory_space<semaphore_mem>>)
    %dma_wait3A_394 = arith.constant 0 : i32
    %dma_wait3A_395 = tpu.memref_slice %arg4[%add3A_349, %dma_wait3A_394] : memref<819200x32xf32, #tpu.memory_space<hbm>> -> memref<800x32xf32, #tpu.memory_space<hbm>>
    %dma_wait3A_396 = arith.constant 0 : i32
    %dma_wait3A_397 = tpu.memref_slice %arg4[%add3A_349, %dma_wait3A_396] : memref<819200x32xf32, #tpu.memory_space<hbm>> -> memref<800x32xf32, #tpu.memory_space<hbm>>
    tpu.wait_dma2 semaphore(%arg15 : memref<!tpu.dma_semaphore, #tpu.memory_space<semaphore_mem>>) src(%arg7 : memref<800x32xf32, #tpu.memory_space<vmem>>) dst(%dma_wait3A_397 : memref<800x32xf32, #tpu.memory_space<hbm>>)
    %dma_start3A_398 = arith.constant 16800 : i32
    %dma_start3A_399 = tpu.memref_slice %arg5[%dma_start3A_398] : memref<25600xi32, #tpu.memory_space<vmem>> -> memref<800xi32, #tpu.memory_space<vmem>>
    %dma_start3A_400 = arith.constant 0 : i32
    %dma_start3A_401 = arith.constant 0 : i32
    %dma_start3A_402 = tpu.memref_slice %arg3[%dma_start3A_400, %dma_start3A_401] : memref<1000000x32xf32, #tpu.memory_space<hbm>> -> memref<1000000x32xf32, #tpu.memory_space<hbm>>
    tpu.enqueue_indirect_dma source(%dma_start3A_402 : memref<1000000x32xf32, #tpu.memory_space<hbm>>) target(%arg7 : memref<800x32xf32, #tpu.memory_space<vmem>>) offsets(%dma_start3A_399 : memref<800xi32, #tpu.memory_space<vmem>>) semaphore(%arg11 : memref<!tpu.dma_semaphore, #tpu.memory_space<semaphore_mem>>)
    %dma_wait3A_403 = arith.constant 16000 : i32
    %dma_wait3A_404 = tpu.memref_slice %arg5[%dma_wait3A_403] : memref<25600xi32, #tpu.memory_space<vmem>> -> memref<800xi32, #tpu.memory_space<vmem>>
    %dma_wait3A_405 = arith.constant 0 : i32
    %dma_wait3A_406 = arith.constant 0 : i32
    %dma_wait3A_407 = tpu.memref_slice %arg3[%dma_wait3A_405, %dma_wait3A_406] : memref<1000000x32xf32, #tpu.memory_space<hbm>> -> memref<1000000x32xf32, #tpu.memory_space<hbm>>
    tpu.wait_indirect_dma semaphore(%arg10 : memref<!tpu.dma_semaphore, #tpu.memory_space<semaphore_mem>>) src(%dma_wait3A_407 : memref<1000000x32xf32, #tpu.memory_space<hbm>>) dst(%arg6 : memref<800x32xf32, #tpu.memory_space<vmem>>)
    %add3A_408 = arith.constant 16000 : i32
    %add3A_409 = arith.addi %mul3A_2, %add3A_408 : i32
    %dma_start3A_410 = arith.constant 0 : i32
    %dma_start3A_411 = tpu.memref_slice %arg4[%add3A_409, %dma_start3A_410] : memref<819200x32xf32, #tpu.memory_space<hbm>> -> memref<800x32xf32, #tpu.memory_space<hbm>>
    %dma_start3A_412 = arith.constant 0 : i32
    %dma_start3A_413 = tpu.memref_slice %arg4[%add3A_409, %dma_start3A_412] : memref<819200x32xf32, #tpu.memory_space<hbm>> -> memref<800x32xf32, #tpu.memory_space<hbm>>
    tpu.enqueue_dma source(%arg6 : memref<800x32xf32, #tpu.memory_space<vmem>>) target(%dma_start3A_413 : memref<800x32xf32, #tpu.memory_space<hbm>>) target_semaphore(%arg14 : memref<!tpu.dma_semaphore, #tpu.memory_space<semaphore_mem>>)
    %dma_wait3A_414 = arith.constant 0 : i32
    %dma_wait3A_415 = tpu.memref_slice %arg4[%add3A_369, %dma_wait3A_414] : memref<819200x32xf32, #tpu.memory_space<hbm>> -> memref<800x32xf32, #tpu.memory_space<hbm>>
    %dma_wait3A_416 = arith.constant 0 : i32
    %dma_wait3A_417 = tpu.memref_slice %arg4[%add3A_369, %dma_wait3A_416] : memref<819200x32xf32, #tpu.memory_space<hbm>> -> memref<800x32xf32, #tpu.memory_space<hbm>>
    tpu.wait_dma2 semaphore(%arg16 : memref<!tpu.dma_semaphore, #tpu.memory_space<semaphore_mem>>) src(%arg8 : memref<800x32xf32, #tpu.memory_space<vmem>>) dst(%dma_wait3A_417 : memref<800x32xf32, #tpu.memory_space<hbm>>)
    %dma_start3A_418 = arith.constant 17600 : i32
    %dma_start3A_419 = tpu.memref_slice %arg5[%dma_start3A_418] : memref<25600xi32, #tpu.memory_space<vmem>> -> memref<800xi32, #tpu.memory_space<vmem>>
    %dma_start3A_420 = arith.constant 0 : i32
    %dma_start3A_421 = arith.constant 0 : i32
    %dma_start3A_422 = tpu.memref_slice %arg3[%dma_start3A_420, %dma_start3A_421] : memref<1000000x32xf32, #tpu.memory_space<hbm>> -> memref<1000000x32xf32, #tpu.memory_space<hbm>>
    tpu.enqueue_indirect_dma source(%dma_start3A_422 : memref<1000000x32xf32, #tpu.memory_space<hbm>>) target(%arg8 : memref<800x32xf32, #tpu.memory_space<vmem>>) offsets(%dma_start3A_419 : memref<800xi32, #tpu.memory_space<vmem>>) semaphore(%arg12 : memref<!tpu.dma_semaphore, #tpu.memory_space<semaphore_mem>>)
    %dma_wait3A_423 = arith.constant 16800 : i32
    %dma_wait3A_424 = tpu.memref_slice %arg5[%dma_wait3A_423] : memref<25600xi32, #tpu.memory_space<vmem>> -> memref<800xi32, #tpu.memory_space<vmem>>
    %dma_wait3A_425 = arith.constant 0 : i32
    %dma_wait3A_426 = arith.constant 0 : i32
    %dma_wait3A_427 = tpu.memref_slice %arg3[%dma_wait3A_425, %dma_wait3A_426] : memref<1000000x32xf32, #tpu.memory_space<hbm>> -> memref<1000000x32xf32, #tpu.memory_space<hbm>>
    tpu.wait_indirect_dma semaphore(%arg11 : memref<!tpu.dma_semaphore, #tpu.memory_space<semaphore_mem>>) src(%dma_wait3A_427 : memref<1000000x32xf32, #tpu.memory_space<hbm>>) dst(%arg7 : memref<800x32xf32, #tpu.memory_space<vmem>>)
    %add3A_428 = arith.constant 16800 : i32
    %add3A_429 = arith.addi %mul3A_2, %add3A_428 : i32
    %dma_start3A_430 = arith.constant 0 : i32
    %dma_start3A_431 = tpu.memref_slice %arg4[%add3A_429, %dma_start3A_430] : memref<819200x32xf32, #tpu.memory_space<hbm>> -> memref<800x32xf32, #tpu.memory_space<hbm>>
    %dma_start3A_432 = arith.constant 0 : i32
    %dma_start3A_433 = tpu.memref_slice %arg4[%add3A_429, %dma_start3A_432] : memref<819200x32xf32, #tpu.memory_space<hbm>> -> memref<800x32xf32, #tpu.memory_space<hbm>>
    tpu.enqueue_dma source(%arg7 : memref<800x32xf32, #tpu.memory_space<vmem>>) target(%dma_start3A_433 : memref<800x32xf32, #tpu.memory_space<hbm>>) target_semaphore(%arg15 : memref<!tpu.dma_semaphore, #tpu.memory_space<semaphore_mem>>)
    %dma_wait3A_434 = arith.constant 0 : i32
    %dma_wait3A_435 = tpu.memref_slice %arg4[%add3A_389, %dma_wait3A_434] : memref<819200x32xf32, #tpu.memory_space<hbm>> -> memref<800x32xf32, #tpu.memory_space<hbm>>
    %dma_wait3A_436 = arith.constant 0 : i32
    %dma_wait3A_437 = tpu.memref_slice %arg4[%add3A_389, %dma_wait3A_436] : memref<819200x32xf32, #tpu.memory_space<hbm>> -> memref<800x32xf32, #tpu.memory_space<hbm>>
    tpu.wait_dma2 semaphore(%arg17 : memref<!tpu.dma_semaphore, #tpu.memory_space<semaphore_mem>>) src(%arg9 : memref<800x32xf32, #tpu.memory_space<vmem>>) dst(%dma_wait3A_437 : memref<800x32xf32, #tpu.memory_space<hbm>>)
    %dma_start3A_438 = arith.constant 18400 : i32
    %dma_start3A_439 = tpu.memref_slice %arg5[%dma_start3A_438] : memref<25600xi32, #tpu.memory_space<vmem>> -> memref<800xi32, #tpu.memory_space<vmem>>
    %dma_start3A_440 = arith.constant 0 : i32
    %dma_start3A_441 = arith.constant 0 : i32
    %dma_start3A_442 = tpu.memref_slice %arg3[%dma_start3A_440, %dma_start3A_441] : memref<1000000x32xf32, #tpu.memory_space<hbm>> -> memref<1000000x32xf32, #tpu.memory_space<hbm>>
    tpu.enqueue_indirect_dma source(%dma_start3A_442 : memref<1000000x32xf32, #tpu.memory_space<hbm>>) target(%arg9 : memref<800x32xf32, #tpu.memory_space<vmem>>) offsets(%dma_start3A_439 : memref<800xi32, #tpu.memory_space<vmem>>) semaphore(%arg13 : memref<!tpu.dma_semaphore, #tpu.memory_space<semaphore_mem>>)
    %dma_wait3A_443 = arith.constant 17600 : i32
    %dma_wait3A_444 = tpu.memref_slice %arg5[%dma_wait3A_443] : memref<25600xi32, #tpu.memory_space<vmem>> -> memref<800xi32, #tpu.memory_space<vmem>>
    %dma_wait3A_445 = arith.constant 0 : i32
    %dma_wait3A_446 = arith.constant 0 : i32
    %dma_wait3A_447 = tpu.memref_slice %arg3[%dma_wait3A_445, %dma_wait3A_446] : memref<1000000x32xf32, #tpu.memory_space<hbm>> -> memref<1000000x32xf32, #tpu.memory_space<hbm>>
    tpu.wait_indirect_dma semaphore(%arg12 : memref<!tpu.dma_semaphore, #tpu.memory_space<semaphore_mem>>) src(%dma_wait3A_447 : memref<1000000x32xf32, #tpu.memory_space<hbm>>) dst(%arg8 : memref<800x32xf32, #tpu.memory_space<vmem>>)
    %add3A_448 = arith.constant 17600 : i32
    %add3A_449 = arith.addi %mul3A_2, %add3A_448 : i32
    %dma_start3A_450 = arith.constant 0 : i32
    %dma_start3A_451 = tpu.memref_slice %arg4[%add3A_449, %dma_start3A_450] : memref<819200x32xf32, #tpu.memory_space<hbm>> -> memref<800x32xf32, #tpu.memory_space<hbm>>
    %dma_start3A_452 = arith.constant 0 : i32
    %dma_start3A_453 = tpu.memref_slice %arg4[%add3A_449, %dma_start3A_452] : memref<819200x32xf32, #tpu.memory_space<hbm>> -> memref<800x32xf32, #tpu.memory_space<hbm>>
    tpu.enqueue_dma source(%arg8 : memref<800x32xf32, #tpu.memory_space<vmem>>) target(%dma_start3A_453 : memref<800x32xf32, #tpu.memory_space<hbm>>) target_semaphore(%arg16 : memref<!tpu.dma_semaphore, #tpu.memory_space<semaphore_mem>>)
    %dma_wait3A_454 = arith.constant 0 : i32
    %dma_wait3A_455 = tpu.memref_slice %arg4[%add3A_409, %dma_wait3A_454] : memref<819200x32xf32, #tpu.memory_space<hbm>> -> memref<800x32xf32, #tpu.memory_space<hbm>>
    %dma_wait3A_456 = arith.constant 0 : i32
    %dma_wait3A_457 = tpu.memref_slice %arg4[%add3A_409, %dma_wait3A_456] : memref<819200x32xf32, #tpu.memory_space<hbm>> -> memref<800x32xf32, #tpu.memory_space<hbm>>
    tpu.wait_dma2 semaphore(%arg14 : memref<!tpu.dma_semaphore, #tpu.memory_space<semaphore_mem>>) src(%arg6 : memref<800x32xf32, #tpu.memory_space<vmem>>) dst(%dma_wait3A_457 : memref<800x32xf32, #tpu.memory_space<hbm>>)
    %dma_start3A_458 = arith.constant 19200 : i32
    %dma_start3A_459 = tpu.memref_slice %arg5[%dma_start3A_458] : memref<25600xi32, #tpu.memory_space<vmem>> -> memref<800xi32, #tpu.memory_space<vmem>>
    %dma_start3A_460 = arith.constant 0 : i32
    %dma_start3A_461 = arith.constant 0 : i32
    %dma_start3A_462 = tpu.memref_slice %arg3[%dma_start3A_460, %dma_start3A_461] : memref<1000000x32xf32, #tpu.memory_space<hbm>> -> memref<1000000x32xf32, #tpu.memory_space<hbm>>
    tpu.enqueue_indirect_dma source(%dma_start3A_462 : memref<1000000x32xf32, #tpu.memory_space<hbm>>) target(%arg6 : memref<800x32xf32, #tpu.memory_space<vmem>>) offsets(%dma_start3A_459 : memref<800xi32, #tpu.memory_space<vmem>>) semaphore(%arg10 : memref<!tpu.dma_semaphore, #tpu.memory_space<semaphore_mem>>)
    %dma_wait3A_463 = arith.constant 18400 : i32
    %dma_wait3A_464 = tpu.memref_slice %arg5[%dma_wait3A_463] : memref<25600xi32, #tpu.memory_space<vmem>> -> memref<800xi32, #tpu.memory_space<vmem>>
    %dma_wait3A_465 = arith.constant 0 : i32
    %dma_wait3A_466 = arith.constant 0 : i32
    %dma_wait3A_467 = tpu.memref_slice %arg3[%dma_wait3A_465, %dma_wait3A_466] : memref<1000000x32xf32, #tpu.memory_space<hbm>> -> memref<1000000x32xf32, #tpu.memory_space<hbm>>
    tpu.wait_indirect_dma semaphore(%arg13 : memref<!tpu.dma_semaphore, #tpu.memory_space<semaphore_mem>>) src(%dma_wait3A_467 : memref<1000000x32xf32, #tpu.memory_space<hbm>>) dst(%arg9 : memref<800x32xf32, #tpu.memory_space<vmem>>)
    %add3A_468 = arith.constant 18400 : i32
    %add3A_469 = arith.addi %mul3A_2, %add3A_468 : i32
    %dma_start3A_470 = arith.constant 0 : i32
    %dma_start3A_471 = tpu.memref_slice %arg4[%add3A_469, %dma_start3A_470] : memref<819200x32xf32, #tpu.memory_space<hbm>> -> memref<800x32xf32, #tpu.memory_space<hbm>>
    %dma_start3A_472 = arith.constant 0 : i32
    %dma_start3A_473 = tpu.memref_slice %arg4[%add3A_469, %dma_start3A_472] : memref<819200x32xf32, #tpu.memory_space<hbm>> -> memref<800x32xf32, #tpu.memory_space<hbm>>
    tpu.enqueue_dma source(%arg9 : memref<800x32xf32, #tpu.memory_space<vmem>>) target(%dma_start3A_473 : memref<800x32xf32, #tpu.memory_space<hbm>>) target_semaphore(%arg17 : memref<!tpu.dma_semaphore, #tpu.memory_space<semaphore_mem>>)
    %dma_wait3A_474 = arith.constant 0 : i32
    %dma_wait3A_475 = tpu.memref_slice %arg4[%add3A_429, %dma_wait3A_474] : memref<819200x32xf32, #tpu.memory_space<hbm>> -> memref<800x32xf32, #tpu.memory_space<hbm>>
    %dma_wait3A_476 = arith.constant 0 : i32
    %dma_wait3A_477 = tpu.memref_slice %arg4[%add3A_429, %dma_wait3A_476] : memref<819200x32xf32, #tpu.memory_space<hbm>> -> memref<800x32xf32, #tpu.memory_space<hbm>>
    tpu.wait_dma2 semaphore(%arg15 : memref<!tpu.dma_semaphore, #tpu.memory_space<semaphore_mem>>) src(%arg7 : memref<800x32xf32, #tpu.memory_space<vmem>>) dst(%dma_wait3A_477 : memref<800x32xf32, #tpu.memory_space<hbm>>)
    %dma_start3A_478 = arith.constant 20000 : i32
    %dma_start3A_479 = tpu.memref_slice %arg5[%dma_start3A_478] : memref<25600xi32, #tpu.memory_space<vmem>> -> memref<800xi32, #tpu.memory_space<vmem>>
    %dma_start3A_480 = arith.constant 0 : i32
    %dma_start3A_481 = arith.constant 0 : i32
    %dma_start3A_482 = tpu.memref_slice %arg3[%dma_start3A_480, %dma_start3A_481] : memref<1000000x32xf32, #tpu.memory_space<hbm>> -> memref<1000000x32xf32, #tpu.memory_space<hbm>>
    tpu.enqueue_indirect_dma source(%dma_start3A_482 : memref<1000000x32xf32, #tpu.memory_space<hbm>>) target(%arg7 : memref<800x32xf32, #tpu.memory_space<vmem>>) offsets(%dma_start3A_479 : memref<800xi32, #tpu.memory_space<vmem>>) semaphore(%arg11 : memref<!tpu.dma_semaphore, #tpu.memory_space<semaphore_mem>>)
    %dma_wait3A_483 = arith.constant 19200 : i32
    %dma_wait3A_484 = tpu.memref_slice %arg5[%dma_wait3A_483] : memref<25600xi32, #tpu.memory_space<vmem>> -> memref<800xi32, #tpu.memory_space<vmem>>
    %dma_wait3A_485 = arith.constant 0 : i32
    %dma_wait3A_486 = arith.constant 0 : i32
    %dma_wait3A_487 = tpu.memref_slice %arg3[%dma_wait3A_485, %dma_wait3A_486] : memref<1000000x32xf32, #tpu.memory_space<hbm>> -> memref<1000000x32xf32, #tpu.memory_space<hbm>>
    tpu.wait_indirect_dma semaphore(%arg10 : memref<!tpu.dma_semaphore, #tpu.memory_space<semaphore_mem>>) src(%dma_wait3A_487 : memref<1000000x32xf32, #tpu.memory_space<hbm>>) dst(%arg6 : memref<800x32xf32, #tpu.memory_space<vmem>>)
    %add3A_488 = arith.constant 19200 : i32
    %add3A_489 = arith.addi %mul3A_2, %add3A_488 : i32
    %dma_start3A_490 = arith.constant 0 : i32
    %dma_start3A_491 = tpu.memref_slice %arg4[%add3A_489, %dma_start3A_490] : memref<819200x32xf32, #tpu.memory_space<hbm>> -> memref<800x32xf32, #tpu.memory_space<hbm>>
    %dma_start3A_492 = arith.constant 0 : i32
    %dma_start3A_493 = tpu.memref_slice %arg4[%add3A_489, %dma_start3A_492] : memref<819200x32xf32, #tpu.memory_space<hbm>> -> memref<800x32xf32, #tpu.memory_space<hbm>>
    tpu.enqueue_dma source(%arg6 : memref<800x32xf32, #tpu.memory_space<vmem>>) target(%dma_start3A_493 : memref<800x32xf32, #tpu.memory_space<hbm>>) target_semaphore(%arg14 : memref<!tpu.dma_semaphore, #tpu.memory_space<semaphore_mem>>)
    %dma_wait3A_494 = arith.constant 0 : i32
    %dma_wait3A_495 = tpu.memref_slice %arg4[%add3A_449, %dma_wait3A_494] : memref<819200x32xf32, #tpu.memory_space<hbm>> -> memref<800x32xf32, #tpu.memory_space<hbm>>
    %dma_wait3A_496 = arith.constant 0 : i32
    %dma_wait3A_497 = tpu.memref_slice %arg4[%add3A_449, %dma_wait3A_496] : memref<819200x32xf32, #tpu.memory_space<hbm>> -> memref<800x32xf32, #tpu.memory_space<hbm>>
    tpu.wait_dma2 semaphore(%arg16 : memref<!tpu.dma_semaphore, #tpu.memory_space<semaphore_mem>>) src(%arg8 : memref<800x32xf32, #tpu.memory_space<vmem>>) dst(%dma_wait3A_497 : memref<800x32xf32, #tpu.memory_space<hbm>>)
    %dma_start3A_498 = arith.constant 20800 : i32
    %dma_start3A_499 = tpu.memref_slice %arg5[%dma_start3A_498] : memref<25600xi32, #tpu.memory_space<vmem>> -> memref<800xi32, #tpu.memory_space<vmem>>
    %dma_start3A_500 = arith.constant 0 : i32
    %dma_start3A_501 = arith.constant 0 : i32
    %dma_start3A_502 = tpu.memref_slice %arg3[%dma_start3A_500, %dma_start3A_501] : memref<1000000x32xf32, #tpu.memory_space<hbm>> -> memref<1000000x32xf32, #tpu.memory_space<hbm>>
    tpu.enqueue_indirect_dma source(%dma_start3A_502 : memref<1000000x32xf32, #tpu.memory_space<hbm>>) target(%arg8 : memref<800x32xf32, #tpu.memory_space<vmem>>) offsets(%dma_start3A_499 : memref<800xi32, #tpu.memory_space<vmem>>) semaphore(%arg12 : memref<!tpu.dma_semaphore, #tpu.memory_space<semaphore_mem>>)
    %dma_wait3A_503 = arith.constant 20000 : i32
    %dma_wait3A_504 = tpu.memref_slice %arg5[%dma_wait3A_503] : memref<25600xi32, #tpu.memory_space<vmem>> -> memref<800xi32, #tpu.memory_space<vmem>>
    %dma_wait3A_505 = arith.constant 0 : i32
    %dma_wait3A_506 = arith.constant 0 : i32
    %dma_wait3A_507 = tpu.memref_slice %arg3[%dma_wait3A_505, %dma_wait3A_506] : memref<1000000x32xf32, #tpu.memory_space<hbm>> -> memref<1000000x32xf32, #tpu.memory_space<hbm>>
    tpu.wait_indirect_dma semaphore(%arg11 : memref<!tpu.dma_semaphore, #tpu.memory_space<semaphore_mem>>) src(%dma_wait3A_507 : memref<1000000x32xf32, #tpu.memory_space<hbm>>) dst(%arg7 : memref<800x32xf32, #tpu.memory_space<vmem>>)
    %add3A_508 = arith.constant 20000 : i32
    %add3A_509 = arith.addi %mul3A_2, %add3A_508 : i32
    %dma_start3A_510 = arith.constant 0 : i32
    %dma_start3A_511 = tpu.memref_slice %arg4[%add3A_509, %dma_start3A_510] : memref<819200x32xf32, #tpu.memory_space<hbm>> -> memref<800x32xf32, #tpu.memory_space<hbm>>
    %dma_start3A_512 = arith.constant 0 : i32
    %dma_start3A_513 = tpu.memref_slice %arg4[%add3A_509, %dma_start3A_512] : memref<819200x32xf32, #tpu.memory_space<hbm>> -> memref<800x32xf32, #tpu.memory_space<hbm>>
    tpu.enqueue_dma source(%arg7 : memref<800x32xf32, #tpu.memory_space<vmem>>) target(%dma_start3A_513 : memref<800x32xf32, #tpu.memory_space<hbm>>) target_semaphore(%arg15 : memref<!tpu.dma_semaphore, #tpu.memory_space<semaphore_mem>>)
    %dma_wait3A_514 = arith.constant 0 : i32
    %dma_wait3A_515 = tpu.memref_slice %arg4[%add3A_469, %dma_wait3A_514] : memref<819200x32xf32, #tpu.memory_space<hbm>> -> memref<800x32xf32, #tpu.memory_space<hbm>>
    %dma_wait3A_516 = arith.constant 0 : i32
    %dma_wait3A_517 = tpu.memref_slice %arg4[%add3A_469, %dma_wait3A_516] : memref<819200x32xf32, #tpu.memory_space<hbm>> -> memref<800x32xf32, #tpu.memory_space<hbm>>
    tpu.wait_dma2 semaphore(%arg17 : memref<!tpu.dma_semaphore, #tpu.memory_space<semaphore_mem>>) src(%arg9 : memref<800x32xf32, #tpu.memory_space<vmem>>) dst(%dma_wait3A_517 : memref<800x32xf32, #tpu.memory_space<hbm>>)
    %dma_start3A_518 = arith.constant 21600 : i32
    %dma_start3A_519 = tpu.memref_slice %arg5[%dma_start3A_518] : memref<25600xi32, #tpu.memory_space<vmem>> -> memref<800xi32, #tpu.memory_space<vmem>>
    %dma_start3A_520 = arith.constant 0 : i32
    %dma_start3A_521 = arith.constant 0 : i32
    %dma_start3A_522 = tpu.memref_slice %arg3[%dma_start3A_520, %dma_start3A_521] : memref<1000000x32xf32, #tpu.memory_space<hbm>> -> memref<1000000x32xf32, #tpu.memory_space<hbm>>
    tpu.enqueue_indirect_dma source(%dma_start3A_522 : memref<1000000x32xf32, #tpu.memory_space<hbm>>) target(%arg9 : memref<800x32xf32, #tpu.memory_space<vmem>>) offsets(%dma_start3A_519 : memref<800xi32, #tpu.memory_space<vmem>>) semaphore(%arg13 : memref<!tpu.dma_semaphore, #tpu.memory_space<semaphore_mem>>)
    %dma_wait3A_523 = arith.constant 20800 : i32
    %dma_wait3A_524 = tpu.memref_slice %arg5[%dma_wait3A_523] : memref<25600xi32, #tpu.memory_space<vmem>> -> memref<800xi32, #tpu.memory_space<vmem>>
    %dma_wait3A_525 = arith.constant 0 : i32
    %dma_wait3A_526 = arith.constant 0 : i32
    %dma_wait3A_527 = tpu.memref_slice %arg3[%dma_wait3A_525, %dma_wait3A_526] : memref<1000000x32xf32, #tpu.memory_space<hbm>> -> memref<1000000x32xf32, #tpu.memory_space<hbm>>
    tpu.wait_indirect_dma semaphore(%arg12 : memref<!tpu.dma_semaphore, #tpu.memory_space<semaphore_mem>>) src(%dma_wait3A_527 : memref<1000000x32xf32, #tpu.memory_space<hbm>>) dst(%arg8 : memref<800x32xf32, #tpu.memory_space<vmem>>)
    %add3A_528 = arith.constant 20800 : i32
    %add3A_529 = arith.addi %mul3A_2, %add3A_528 : i32
    %dma_start3A_530 = arith.constant 0 : i32
    %dma_start3A_531 = tpu.memref_slice %arg4[%add3A_529, %dma_start3A_530] : memref<819200x32xf32, #tpu.memory_space<hbm>> -> memref<800x32xf32, #tpu.memory_space<hbm>>
    %dma_start3A_532 = arith.constant 0 : i32
    %dma_start3A_533 = tpu.memref_slice %arg4[%add3A_529, %dma_start3A_532] : memref<819200x32xf32, #tpu.memory_space<hbm>> -> memref<800x32xf32, #tpu.memory_space<hbm>>
    tpu.enqueue_dma source(%arg8 : memref<800x32xf32, #tpu.memory_space<vmem>>) target(%dma_start3A_533 : memref<800x32xf32, #tpu.memory_space<hbm>>) target_semaphore(%arg16 : memref<!tpu.dma_semaphore, #tpu.memory_space<semaphore_mem>>)
    %dma_wait3A_534 = arith.constant 0 : i32
    %dma_wait3A_535 = tpu.memref_slice %arg4[%add3A_489, %dma_wait3A_534] : memref<819200x32xf32, #tpu.memory_space<hbm>> -> memref<800x32xf32, #tpu.memory_space<hbm>>
    %dma_wait3A_536 = arith.constant 0 : i32
    %dma_wait3A_537 = tpu.memref_slice %arg4[%add3A_489, %dma_wait3A_536] : memref<819200x32xf32, #tpu.memory_space<hbm>> -> memref<800x32xf32, #tpu.memory_space<hbm>>
    tpu.wait_dma2 semaphore(%arg14 : memref<!tpu.dma_semaphore, #tpu.memory_space<semaphore_mem>>) src(%arg6 : memref<800x32xf32, #tpu.memory_space<vmem>>) dst(%dma_wait3A_537 : memref<800x32xf32, #tpu.memory_space<hbm>>)
    %dma_start3A_538 = arith.constant 22400 : i32
    %dma_start3A_539 = tpu.memref_slice %arg5[%dma_start3A_538] : memref<25600xi32, #tpu.memory_space<vmem>> -> memref<800xi32, #tpu.memory_space<vmem>>
    %dma_start3A_540 = arith.constant 0 : i32
    %dma_start3A_541 = arith.constant 0 : i32
    %dma_start3A_542 = tpu.memref_slice %arg3[%dma_start3A_540, %dma_start3A_541] : memref<1000000x32xf32, #tpu.memory_space<hbm>> -> memref<1000000x32xf32, #tpu.memory_space<hbm>>
    tpu.enqueue_indirect_dma source(%dma_start3A_542 : memref<1000000x32xf32, #tpu.memory_space<hbm>>) target(%arg6 : memref<800x32xf32, #tpu.memory_space<vmem>>) offsets(%dma_start3A_539 : memref<800xi32, #tpu.memory_space<vmem>>) semaphore(%arg10 : memref<!tpu.dma_semaphore, #tpu.memory_space<semaphore_mem>>)
    %dma_wait3A_543 = arith.constant 21600 : i32
    %dma_wait3A_544 = tpu.memref_slice %arg5[%dma_wait3A_543] : memref<25600xi32, #tpu.memory_space<vmem>> -> memref<800xi32, #tpu.memory_space<vmem>>
    %dma_wait3A_545 = arith.constant 0 : i32
    %dma_wait3A_546 = arith.constant 0 : i32
    %dma_wait3A_547 = tpu.memref_slice %arg3[%dma_wait3A_545, %dma_wait3A_546] : memref<1000000x32xf32, #tpu.memory_space<hbm>> -> memref<1000000x32xf32, #tpu.memory_space<hbm>>
    tpu.wait_indirect_dma semaphore(%arg13 : memref<!tpu.dma_semaphore, #tpu.memory_space<semaphore_mem>>) src(%dma_wait3A_547 : memref<1000000x32xf32, #tpu.memory_space<hbm>>) dst(%arg9 : memref<800x32xf32, #tpu.memory_space<vmem>>)
    %add3A_548 = arith.constant 21600 : i32
    %add3A_549 = arith.addi %mul3A_2, %add3A_548 : i32
    %dma_start3A_550 = arith.constant 0 : i32
    %dma_start3A_551 = tpu.memref_slice %arg4[%add3A_549, %dma_start3A_550] : memref<819200x32xf32, #tpu.memory_space<hbm>> -> memref<800x32xf32, #tpu.memory_space<hbm>>
    %dma_start3A_552 = arith.constant 0 : i32
    %dma_start3A_553 = tpu.memref_slice %arg4[%add3A_549, %dma_start3A_552] : memref<819200x32xf32, #tpu.memory_space<hbm>> -> memref<800x32xf32, #tpu.memory_space<hbm>>
    tpu.enqueue_dma source(%arg9 : memref<800x32xf32, #tpu.memory_space<vmem>>) target(%dma_start3A_553 : memref<800x32xf32, #tpu.memory_space<hbm>>) target_semaphore(%arg17 : memref<!tpu.dma_semaphore, #tpu.memory_space<semaphore_mem>>)
    %dma_wait3A_554 = arith.constant 0 : i32
    %dma_wait3A_555 = tpu.memref_slice %arg4[%add3A_509, %dma_wait3A_554] : memref<819200x32xf32, #tpu.memory_space<hbm>> -> memref<800x32xf32, #tpu.memory_space<hbm>>
    %dma_wait3A_556 = arith.constant 0 : i32
    %dma_wait3A_557 = tpu.memref_slice %arg4[%add3A_509, %dma_wait3A_556] : memref<819200x32xf32, #tpu.memory_space<hbm>> -> memref<800x32xf32, #tpu.memory_space<hbm>>
    tpu.wait_dma2 semaphore(%arg15 : memref<!tpu.dma_semaphore, #tpu.memory_space<semaphore_mem>>) src(%arg7 : memref<800x32xf32, #tpu.memory_space<vmem>>) dst(%dma_wait3A_557 : memref<800x32xf32, #tpu.memory_space<hbm>>)
    %dma_start3A_558 = arith.constant 23200 : i32
    %dma_start3A_559 = tpu.memref_slice %arg5[%dma_start3A_558] : memref<25600xi32, #tpu.memory_space<vmem>> -> memref<800xi32, #tpu.memory_space<vmem>>
    %dma_start3A_560 = arith.constant 0 : i32
    %dma_start3A_561 = arith.constant 0 : i32
    %dma_start3A_562 = tpu.memref_slice %arg3[%dma_start3A_560, %dma_start3A_561] : memref<1000000x32xf32, #tpu.memory_space<hbm>> -> memref<1000000x32xf32, #tpu.memory_space<hbm>>
    tpu.enqueue_indirect_dma source(%dma_start3A_562 : memref<1000000x32xf32, #tpu.memory_space<hbm>>) target(%arg7 : memref<800x32xf32, #tpu.memory_space<vmem>>) offsets(%dma_start3A_559 : memref<800xi32, #tpu.memory_space<vmem>>) semaphore(%arg11 : memref<!tpu.dma_semaphore, #tpu.memory_space<semaphore_mem>>)
    %dma_wait3A_563 = arith.constant 22400 : i32
    %dma_wait3A_564 = tpu.memref_slice %arg5[%dma_wait3A_563] : memref<25600xi32, #tpu.memory_space<vmem>> -> memref<800xi32, #tpu.memory_space<vmem>>
    %dma_wait3A_565 = arith.constant 0 : i32
    %dma_wait3A_566 = arith.constant 0 : i32
    %dma_wait3A_567 = tpu.memref_slice %arg3[%dma_wait3A_565, %dma_wait3A_566] : memref<1000000x32xf32, #tpu.memory_space<hbm>> -> memref<1000000x32xf32, #tpu.memory_space<hbm>>
    tpu.wait_indirect_dma semaphore(%arg10 : memref<!tpu.dma_semaphore, #tpu.memory_space<semaphore_mem>>) src(%dma_wait3A_567 : memref<1000000x32xf32, #tpu.memory_space<hbm>>) dst(%arg6 : memref<800x32xf32, #tpu.memory_space<vmem>>)
    %add3A_568 = arith.constant 22400 : i32
    %add3A_569 = arith.addi %mul3A_2, %add3A_568 : i32
    %dma_start3A_570 = arith.constant 0 : i32
    %dma_start3A_571 = tpu.memref_slice %arg4[%add3A_569, %dma_start3A_570] : memref<819200x32xf32, #tpu.memory_space<hbm>> -> memref<800x32xf32, #tpu.memory_space<hbm>>
    %dma_start3A_572 = arith.constant 0 : i32
    %dma_start3A_573 = tpu.memref_slice %arg4[%add3A_569, %dma_start3A_572] : memref<819200x32xf32, #tpu.memory_space<hbm>> -> memref<800x32xf32, #tpu.memory_space<hbm>>
    tpu.enqueue_dma source(%arg6 : memref<800x32xf32, #tpu.memory_space<vmem>>) target(%dma_start3A_573 : memref<800x32xf32, #tpu.memory_space<hbm>>) target_semaphore(%arg14 : memref<!tpu.dma_semaphore, #tpu.memory_space<semaphore_mem>>)
    %dma_wait3A_574 = arith.constant 0 : i32
    %dma_wait3A_575 = tpu.memref_slice %arg4[%add3A_529, %dma_wait3A_574] : memref<819200x32xf32, #tpu.memory_space<hbm>> -> memref<800x32xf32, #tpu.memory_space<hbm>>
    %dma_wait3A_576 = arith.constant 0 : i32
    %dma_wait3A_577 = tpu.memref_slice %arg4[%add3A_529, %dma_wait3A_576] : memref<819200x32xf32, #tpu.memory_space<hbm>> -> memref<800x32xf32, #tpu.memory_space<hbm>>
    tpu.wait_dma2 semaphore(%arg16 : memref<!tpu.dma_semaphore, #tpu.memory_space<semaphore_mem>>) src(%arg8 : memref<800x32xf32, #tpu.memory_space<vmem>>) dst(%dma_wait3A_577 : memref<800x32xf32, #tpu.memory_space<hbm>>)
    %dma_start3A_578 = arith.constant 24000 : i32
    %dma_start3A_579 = tpu.memref_slice %arg5[%dma_start3A_578] : memref<25600xi32, #tpu.memory_space<vmem>> -> memref<800xi32, #tpu.memory_space<vmem>>
    %dma_start3A_580 = arith.constant 0 : i32
    %dma_start3A_581 = arith.constant 0 : i32
    %dma_start3A_582 = tpu.memref_slice %arg3[%dma_start3A_580, %dma_start3A_581] : memref<1000000x32xf32, #tpu.memory_space<hbm>> -> memref<1000000x32xf32, #tpu.memory_space<hbm>>
    tpu.enqueue_indirect_dma source(%dma_start3A_582 : memref<1000000x32xf32, #tpu.memory_space<hbm>>) target(%arg8 : memref<800x32xf32, #tpu.memory_space<vmem>>) offsets(%dma_start3A_579 : memref<800xi32, #tpu.memory_space<vmem>>) semaphore(%arg12 : memref<!tpu.dma_semaphore, #tpu.memory_space<semaphore_mem>>)
    %dma_wait3A_583 = arith.constant 23200 : i32
    %dma_wait3A_584 = tpu.memref_slice %arg5[%dma_wait3A_583] : memref<25600xi32, #tpu.memory_space<vmem>> -> memref<800xi32, #tpu.memory_space<vmem>>
    %dma_wait3A_585 = arith.constant 0 : i32
    %dma_wait3A_586 = arith.constant 0 : i32
    %dma_wait3A_587 = tpu.memref_slice %arg3[%dma_wait3A_585, %dma_wait3A_586] : memref<1000000x32xf32, #tpu.memory_space<hbm>> -> memref<1000000x32xf32, #tpu.memory_space<hbm>>
    tpu.wait_indirect_dma semaphore(%arg11 : memref<!tpu.dma_semaphore, #tpu.memory_space<semaphore_mem>>) src(%dma_wait3A_587 : memref<1000000x32xf32, #tpu.memory_space<hbm>>) dst(%arg7 : memref<800x32xf32, #tpu.memory_space<vmem>>)
    %add3A_588 = arith.constant 23200 : i32
    %add3A_589 = arith.addi %mul3A_2, %add3A_588 : i32
    %dma_start3A_590 = arith.constant 0 : i32
    %dma_start3A_591 = tpu.memref_slice %arg4[%add3A_589, %dma_start3A_590] : memref<819200x32xf32, #tpu.memory_space<hbm>> -> memref<800x32xf32, #tpu.memory_space<hbm>>
    %dma_start3A_592 = arith.constant 0 : i32
    %dma_start3A_593 = tpu.memref_slice %arg4[%add3A_589, %dma_start3A_592] : memref<819200x32xf32, #tpu.memory_space<hbm>> -> memref<800x32xf32, #tpu.memory_space<hbm>>
    tpu.enqueue_dma source(%arg7 : memref<800x32xf32, #tpu.memory_space<vmem>>) target(%dma_start3A_593 : memref<800x32xf32, #tpu.memory_space<hbm>>) target_semaphore(%arg15 : memref<!tpu.dma_semaphore, #tpu.memory_space<semaphore_mem>>)
    %dma_wait3A_594 = arith.constant 0 : i32
    %dma_wait3A_595 = tpu.memref_slice %arg4[%add3A_549, %dma_wait3A_594] : memref<819200x32xf32, #tpu.memory_space<hbm>> -> memref<800x32xf32, #tpu.memory_space<hbm>>
    %dma_wait3A_596 = arith.constant 0 : i32
    %dma_wait3A_597 = tpu.memref_slice %arg4[%add3A_549, %dma_wait3A_596] : memref<819200x32xf32, #tpu.memory_space<hbm>> -> memref<800x32xf32, #tpu.memory_space<hbm>>
    tpu.wait_dma2 semaphore(%arg17 : memref<!tpu.dma_semaphore, #tpu.memory_space<semaphore_mem>>) src(%arg9 : memref<800x32xf32, #tpu.memory_space<vmem>>) dst(%dma_wait3A_597 : memref<800x32xf32, #tpu.memory_space<hbm>>)
    %dma_start3A_598 = arith.constant 24800 : i32
    %dma_start3A_599 = tpu.memref_slice %arg5[%dma_start3A_598] : memref<25600xi32, #tpu.memory_space<vmem>> -> memref<800xi32, #tpu.memory_space<vmem>>
    %dma_start3A_600 = arith.constant 0 : i32
    %dma_start3A_601 = arith.constant 0 : i32
    %dma_start3A_602 = tpu.memref_slice %arg3[%dma_start3A_600, %dma_start3A_601] : memref<1000000x32xf32, #tpu.memory_space<hbm>> -> memref<1000000x32xf32, #tpu.memory_space<hbm>>
    tpu.enqueue_indirect_dma source(%dma_start3A_602 : memref<1000000x32xf32, #tpu.memory_space<hbm>>) target(%arg9 : memref<800x32xf32, #tpu.memory_space<vmem>>) offsets(%dma_start3A_599 : memref<800xi32, #tpu.memory_space<vmem>>) semaphore(%arg13 : memref<!tpu.dma_semaphore, #tpu.memory_space<semaphore_mem>>)
    %dma_wait3A_603 = arith.constant 24000 : i32
    %dma_wait3A_604 = tpu.memref_slice %arg5[%dma_wait3A_603] : memref<25600xi32, #tpu.memory_space<vmem>> -> memref<800xi32, #tpu.memory_space<vmem>>
    %dma_wait3A_605 = arith.constant 0 : i32
    %dma_wait3A_606 = arith.constant 0 : i32
    %dma_wait3A_607 = tpu.memref_slice %arg3[%dma_wait3A_605, %dma_wait3A_606] : memref<1000000x32xf32, #tpu.memory_space<hbm>> -> memref<1000000x32xf32, #tpu.memory_space<hbm>>
    tpu.wait_indirect_dma semaphore(%arg12 : memref<!tpu.dma_semaphore, #tpu.memory_space<semaphore_mem>>) src(%dma_wait3A_607 : memref<1000000x32xf32, #tpu.memory_space<hbm>>) dst(%arg8 : memref<800x32xf32, #tpu.memory_space<vmem>>)
    %add3A_608 = arith.constant 24000 : i32
    %add3A_609 = arith.addi %mul3A_2, %add3A_608 : i32
    %dma_start3A_610 = arith.constant 0 : i32
    %dma_start3A_611 = tpu.memref_slice %arg4[%add3A_609, %dma_start3A_610] : memref<819200x32xf32, #tpu.memory_space<hbm>> -> memref<800x32xf32, #tpu.memory_space<hbm>>
    %dma_start3A_612 = arith.constant 0 : i32
    %dma_start3A_613 = tpu.memref_slice %arg4[%add3A_609, %dma_start3A_612] : memref<819200x32xf32, #tpu.memory_space<hbm>> -> memref<800x32xf32, #tpu.memory_space<hbm>>
    tpu.enqueue_dma source(%arg8 : memref<800x32xf32, #tpu.memory_space<vmem>>) target(%dma_start3A_613 : memref<800x32xf32, #tpu.memory_space<hbm>>) target_semaphore(%arg16 : memref<!tpu.dma_semaphore, #tpu.memory_space<semaphore_mem>>)
    %dma_wait3A_614 = arith.constant 24800 : i32
    %dma_wait3A_615 = tpu.memref_slice %arg5[%dma_wait3A_614] : memref<25600xi32, #tpu.memory_space<vmem>> -> memref<800xi32, #tpu.memory_space<vmem>>
    %dma_wait3A_616 = arith.constant 0 : i32
    %dma_wait3A_617 = arith.constant 0 : i32
    %dma_wait3A_618 = tpu.memref_slice %arg3[%dma_wait3A_616, %dma_wait3A_617] : memref<1000000x32xf32, #tpu.memory_space<hbm>> -> memref<1000000x32xf32, #tpu.memory_space<hbm>>
    tpu.wait_indirect_dma semaphore(%arg13 : memref<!tpu.dma_semaphore, #tpu.memory_space<semaphore_mem>>) src(%dma_wait3A_618 : memref<1000000x32xf32, #tpu.memory_space<hbm>>) dst(%arg9 : memref<800x32xf32, #tpu.memory_space<vmem>>)
    %add3A_619 = arith.constant 24800 : i32
    %add3A_620 = arith.addi %mul3A_2, %add3A_619 : i32
    %dma_start3A_621 = arith.constant 0 : i32
    %dma_start3A_622 = tpu.memref_slice %arg4[%add3A_620, %dma_start3A_621] : memref<819200x32xf32, #tpu.memory_space<hbm>> -> memref<800x32xf32, #tpu.memory_space<hbm>>
    %dma_start3A_623 = arith.constant 0 : i32
    %dma_start3A_624 = tpu.memref_slice %arg4[%add3A_620, %dma_start3A_623] : memref<819200x32xf32, #tpu.memory_space<hbm>> -> memref<800x32xf32, #tpu.memory_space<hbm>>
    tpu.enqueue_dma source(%arg9 : memref<800x32xf32, #tpu.memory_space<vmem>>) target(%dma_start3A_624 : memref<800x32xf32, #tpu.memory_space<hbm>>) target_semaphore(%arg17 : memref<!tpu.dma_semaphore, #tpu.memory_space<semaphore_mem>>)
    %dma_wait3A_625 = arith.constant 0 : i32
    %dma_wait3A_626 = tpu.memref_slice %arg4[%add3A_569, %dma_wait3A_625] : memref<819200x32xf32, #tpu.memory_space<hbm>> -> memref<800x32xf32, #tpu.memory_space<hbm>>
    %dma_wait3A_627 = arith.constant 0 : i32
    %dma_wait3A_628 = tpu.memref_slice %arg4[%add3A_569, %dma_wait3A_627] : memref<819200x32xf32, #tpu.memory_space<hbm>> -> memref<800x32xf32, #tpu.memory_space<hbm>>
    tpu.wait_dma2 semaphore(%arg14 : memref<!tpu.dma_semaphore, #tpu.memory_space<semaphore_mem>>) src(%arg6 : memref<800x32xf32, #tpu.memory_space<vmem>>) dst(%dma_wait3A_628 : memref<800x32xf32, #tpu.memory_space<hbm>>)
    %dma_wait3A_629 = arith.constant 0 : i32
    %dma_wait3A_630 = tpu.memref_slice %arg4[%add3A_589, %dma_wait3A_629] : memref<819200x32xf32, #tpu.memory_space<hbm>> -> memref<800x32xf32, #tpu.memory_space<hbm>>
    %dma_wait3A_631 = arith.constant 0 : i32
    %dma_wait3A_632 = tpu.memref_slice %arg4[%add3A_589, %dma_wait3A_631] : memref<819200x32xf32, #tpu.memory_space<hbm>> -> memref<800x32xf32, #tpu.memory_space<hbm>>
    tpu.wait_dma2 semaphore(%arg15 : memref<!tpu.dma_semaphore, #tpu.memory_space<semaphore_mem>>) src(%arg7 : memref<800x32xf32, #tpu.memory_space<vmem>>) dst(%dma_wait3A_632 : memref<800x32xf32, #tpu.memory_space<hbm>>)
    %dma_wait3A_633 = arith.constant 0 : i32
    %dma_wait3A_634 = tpu.memref_slice %arg4[%add3A_609, %dma_wait3A_633] : memref<819200x32xf32, #tpu.memory_space<hbm>> -> memref<800x32xf32, #tpu.memory_space<hbm>>
    %dma_wait3A_635 = arith.constant 0 : i32
    %dma_wait3A_636 = tpu.memref_slice %arg4[%add3A_609, %dma_wait3A_635] : memref<819200x32xf32, #tpu.memory_space<hbm>> -> memref<800x32xf32, #tpu.memory_space<hbm>>
    tpu.wait_dma2 semaphore(%arg16 : memref<!tpu.dma_semaphore, #tpu.memory_space<semaphore_mem>>) src(%arg8 : memref<800x32xf32, #tpu.memory_space<vmem>>) dst(%dma_wait3A_636 : memref<800x32xf32, #tpu.memory_space<hbm>>)
    %dma_wait3A_637 = arith.constant 0 : i32
    %dma_wait3A_638 = tpu.memref_slice %arg4[%add3A_620, %dma_wait3A_637] : memref<819200x32xf32, #tpu.memory_space<hbm>> -> memref<800x32xf32, #tpu.memory_space<hbm>>
    %dma_wait3A_639 = arith.constant 0 : i32
    %dma_wait3A_640 = tpu.memref_slice %arg4[%add3A_620, %dma_wait3A_639] : memref<819200x32xf32, #tpu.memory_space<hbm>> -> memref<800x32xf32, #tpu.memory_space<hbm>>
    tpu.wait_dma2 semaphore(%arg17 : memref<!tpu.dma_semaphore, #tpu.memory_space<semaphore_mem>>) src(%arg9 : memref<800x32xf32, #tpu.memory_space<vmem>>) dst(%dma_wait3A_640 : memref<800x32xf32, #tpu.memory_space<hbm>>)
    return
  }
}

</mosaic_0001>

<sc_bundles>
// kernel: kernel.3.cloned.1.call-start
scs
__scs_entry_jumppad:
0x0: {  	(pc) =	sbr.rel $0x88, $3  }
0x1: {  	(tag) =	ssettag $0x0;
	lr =	simm.s32 $0x1  }
0x2: {  	[smem:$0x3F9F] =	sst lr;
	_ =	strace $0xD0000000  }
0x3: {  	_ = 	snop  }
0x4: {  	_ = 	snop  }
0x5: {  	_ = 	snop  }
0x6: {  	_ = 	snop  }
0x7: {  	_ = 	snop  }
__scs_overlays_trampoline_lowered:
0x8: {  	[smem:$0x3FAE] =	sst s0  }
0x9: {  	[smem:$0x3FAF] =	sst s1  }
0xa: {  	[smem:$0x3FB0] =	sst s2  }
0xb: {  	[smem:$0x3FB1] =	sst s3  }
0xc: {  	[smem:$0x3FB2] =	sst s4  }
0xd: {  	[smem:$0x3FB3] =	sst s5  }
0xe: {  	[smem:$0x3FB4] =	sst s6  }
0xf: {  	[smem:$0x3FB5] =	sst s7  }
0x10: {  	[smem:$0x3FB6] =	sst s8  }
0x11: {  	[smem:$0x3FB7] =	sst s9;
	s0 =	simm.s32 @!p0 $0x0  }
0x12: {  	s1 =	sld [smem:$0x3F9D];
	s0 =	simm.s32 @p0 $0x1  }
0x13: {  	[smem:$0x3FB8] =	sst s0;
	s0 =	simm.s32 @!p1 $0x0  }
0x14: {  	s2 =	sld [smem:$0x3F9C];
	s0 =	simm.s32 @p1 $0x1  }
0x15: {  	[smem:$0x3FB9] =	sst s0;
	s0 =	simm.s32 @!p2 $0x0  }
0x16: {  	s3 =	sld [smem:$0x3FDB];
	s0 =	simm.s32 @p2 $0x1  }
0x17: {  	s4 =	simm.s32 $0x1BF5;
	[smem:$0x3FBB] =	sst s0  }
0x18: {  	s0 =	sld [smem:$0x3F9E];
	_ =	swait.ge [sflag:s4], $0x0  }
0x19: {  	s7 =	sld [smem:$0x3F9F]  }
0x1a: {  	s8 =	sadd.s32 $0xFFFFE003, lr  }
0x1b: {  	s9 =	sadd.s32 $0xFFFFFEF7, lr;
	s5 =	simm.s32 $0xFFFFFFFF;
	p2 =	slt.u32 s8, $0xFFFFF086  }
0x1c: {  	p1 =	slt.u32 s9, $0xF7A;
	s5 =	simm.s32 @!p2 $0x0  }
0x1d: {  	s5 =	simm.s32 @p1 $0x1;
	p0 =	seq.s32 s7, s2  }
0x1e: {  	s7 =	smul.u32 @!p0 $0xF7A, s2;
	p2 =	seq.s32 @!p0 s5, $0x0  }
0x1f: {  	s9 =	smul.u32 $0xF7A, s1;
	s8 =	simm.s32 @!p0 $0x1BF5;
	p2 =	por !p2, p0  }
0x20: {  	[sflag:s8] =	ssyncset.s32 @!p0 $0xFFFFF086;
	s6 =	sadd.s32 @!p0 s3, s7;
	s7 =	simm.s32 @!p0 $0x108  }
0x21: {  	s3 =	sadd.s32 s3, s9;
	s6 =	sadd.s32 @!p0 $0x88, s6;
	s7 =	simm.s32 @p2 $0x1082  }
0x22: {  	[simem:s7], [sflag:s8] =	dma.local @!p0 [hbm:s6], $0xF7A  }
0x23: {  	s9 =	sor.u32 $0xD0000000, s2;
	s6 =	simm.s32 $0x108;
	_ =	swait.ge @!p0 [sflag:s8], $0x0  }
0x24: {  	s3 =	sadd.s32 $0x88, s3;
	s6 =	simm.s32 @!p1 $0x1082;
	[sflag:s4] =	ssyncset.s32 $0xFFFFF086  }
0x25: {  	[simem:s6], [sflag:s4] =	dma.local [hbm:s3], $0xF7A  }
0x26: {  	[smem:$0x3F9F] =	sst s1;
	(tag) =	ssettag s2;
	_ =	strace s9  }
0x27: {  	s1 =	sld [smem:$0x3FAF]  }
0x28: {  	s2 =	sld [smem:$0x3FB0]  }
0x29: {  	s4 =	sld [smem:$0x3FB2]  }
0x2a: {  	p0 =	seq.s32 s5, $0x0;
	s5 =	sld [smem:$0x3FB3]  }
0x2b: {  	s6 =	sld [smem:$0x3FB4]  }
0x2c: {  	s7 =	sld [smem:$0x3FB5]  }
0x2d: {  	s3 =	simm.s32 $0x108;
	s8 =	sld [smem:$0x3FB6]  }
0x2e: {  	s3 =	simm.s32 @!p0 $0x1082;
	s9 =	sld [smem:$0x3FB7]  }
0x2f: {  	lr =	sadd.s32 s0, s3;
	s0 =	sld [smem:$0x3FAE]  }
0x30: {  	s3 =	sld [smem:$0x3FB1]  }
0x31: {  	[smem:$0x3FBA] =	sst s10  }
0x32: {  	s10 =	sld [smem:$0x3FB8];
	_ =	sdelay $0x3  }
0x33: {  	p0 =	seq.s32 s10, $0x1;
	s10 =	sld [smem:$0x3FBA];
	_ =	sdelay $0x3  }
0x34: {  	[smem:$0x3FBA] =	sst s10  }
0x35: {  	s10 =	sld [smem:$0x3FB9];
	_ =	sdelay $0x3  }
0x36: {  	p1 =	seq.s32 s10, $0x1;
	s10 =	sld [smem:$0x3FBA];
	_ =	sdelay $0x3  }
0x37: {  	[smem:$0x3FBA] =	sst s10  }
0x38: {  	s10 =	sld [smem:$0x3FBB]  }
0x39: {  	_ = 	snop;
	(pc) =	sbr.ind lr, $3  }
0x3a: {  	_ = 	snop  }
0x3b: {  	_ = 	snop  }
0x3c: {  	p2 =	seq.s32 s10, $0x1;
	s10 =	sld [smem:$0x3FBA]  }
0x3d: {  	_ =	shalt  }
0x3e: {  	_ =	shalt  }
0x3f: {  	_ =	shalt  }
0x40: {  	_ =	shalt  }
0x41: {  	_ =	shalt  }
0x42: {  	_ =	shalt  }
0x43: {  	_ =	shalt  }
0x44: {  	_ =	shalt  }
0x45: {  	_ =	shalt  }
0x46: {  	_ =	shalt  }
0x47: {  	_ =	shalt  }
0x48: {  	_ =	shalt  }
0x49: {  	_ =	shalt  }
0x4a: {  	_ =	shalt  }
0x4b: {  	_ =	shalt  }
0x4c: {  	_ =	shalt  }
0x4d: {  	_ =	shalt  }
0x4e: {  	_ =	shalt  }
0x4f: {  	_ =	shalt  }
0x50: {  	_ =	shalt  }
0x51: {  	_ =	shalt  }
0x52: {  	_ =	shalt  }
0x53: {  	_ =	shalt  }
0x54: {  	_ =	shalt  }
0x55: {  	_ =	shalt  }
0x56: {  	_ =	shalt  }
0x57: {  	_ =	shalt  }
0x58: {  	_ =	shalt  }
0x59: {  	_ =	shalt  }
0x5a: {  	_ =	shalt  }
0x5b: {  	_ =	shalt  }
0x5c: {  	_ =	shalt  }
0x5d: {  	_ =	shalt  }
0x5e: {  	_ =	shalt  }
0x5f: {  	_ =	shalt  }
0x60: {  	_ =	shalt  }
0x61: {  	_ =	shalt  }
0x62: {  	_ =	shalt  }
0x63: {  	_ =	shalt  }
0x64: {  	_ =	shalt  }
0x65: {  	_ =	shalt  }
0x66: {  	_ =	shalt  }
0x67: {  	_ =	shalt  }
0x68: {  	_ =	shalt  }
0x69: {  	_ =	shalt  }
0x6a: {  	_ =	shalt  }
0x6b: {  	_ =	shalt  }
0x6c: {  	_ =	shalt  }
0x6d: {  	_ =	shalt  }
0x6e: {  	_ =	shalt  }
0x6f: {  	_ =	shalt  }
0x70: {  	_ =	shalt  }
0x71: {  	_ =	shalt  }
0x72: {  	_ =	shalt  }
0x73: {  	_ =	shalt  }
0x74: {  	_ =	shalt  }
0x75: {  	_ =	shalt  }
0x76: {  	_ =	shalt  }
0x77: {  	_ =	shalt  }
0x78: {  	_ =	shalt  }
0x79: {  	_ =	shalt  }
0x7a: {  	_ =	shalt  }
0x7b: {  	_ =	shalt  }
0x7c: {  	_ =	shalt  }
0x7d: {  	_ =	shalt  }
0x7e: {  	_ =	shalt  }
0x7f: {  	_ =	shalt  }
0x80: {  	_ =	shalt  }
0x81: {  	_ =	shalt  }
0x82: {  	_ =	shalt  }
0x83: {  	_ =	shalt  }
0x84: {  	_ =	shalt  }
0x85: {  	_ =	shalt  }
0x86: {  	_ =	shalt  }
0x87: {  	_ =	shalt  }
.Lfunc_end0:
.L_simem_size_0:
called_computation.1_lowered:
.L_overlay_start_0:
0x88: {  	s2 =	sld [smem:$0x3FD9]  }
0x89: {  	s3 =	sld [smem:$0x3FFE];
	_ =	sdelay $0x1  }
0x8a: {  	s1 =	srdreg.scid  }
0x8b: {  	s0 =	sand.u32 $0x1, s1  }
0x8c: {  	s17 =	sshll.u32 s0, $0xA;
	s2 =	sadd.s32 s3, s2  }
0x8d: {  	s2 =	sadd.s32 s2, s17  }
0x8e: {  	[smem:$0x3FC6] =	sst s2  }
0x8f: {  	_ = 	snop  }
0x90: {  	s2 =	sld [smem:$0x3FD0];
	(tm) =	ssettm $0x1  }
0x91: {  	s18 =	sld [smem:$0x3FFB];
	_ =	sdelay $0x3  }
0x92: {  	_ =	strace s18  }
0x93: {  	s3 =	sld [smem:$0x3FFC];
	_ =	sdelay $0x3  }
0x94: {  	_ =	strace s3  }
0x95: {  	s3 =	sld [smem:$0x3FFD];
	_ =	sdelay $0x3  }
0x96: {  	_ =	strace s3  }
0x97: {  	_ =	strace $0x8FFFFFFF  }
0x98: {  	s19 =	sld [smem:$0x3FDB];
	_ =	sdelay $0x1  }
0x99: {  	s4 =	simm.s32 $_scs_section_size  }
0x9a: {  	s5 =	simm.s32 $_size__tile_overlayer_lowered;
	s6 =	simm.s32 $_tile_overlayer_lowered  }
0x9b: {  	s22 =	simm.s32 $0x1BFF;
	s21 =	sshll.u32 s6, $0x1;
	s3 =	sadd.s32 s4, s19  }
0x9c: {  	s7 =	simm.s32 $0x0;
	s20 =	sshll.u32 s5, $0x1;
	s5 =	sadd.s32 s21, s3  }
0x9d: {  	[timem:s7], [sflag:s22] =	dma.local [hbm:s5], s20  }
0x9e: {  	_ =	swait.ge [sflag:s22], s20  }
0x9f: {  	s4 =	ssub.s32 $0x0, s20;
	[sflag:s22] =	ssyncset.done $0x0  }
0xa0: {  	[sflag:s22] =	ssyncadd.s32 s4;
	_ =	sdelay $0x1  }
0xa1: {  	s23 =	simm.s32 $0x1B8B  }
0xa2: {  	_ =	swait.ge [sflag:s23], $0x1  }
0xa3: {  	[sflag:s23] =	ssyncset.done $0x0  }
0xa4: {  	s25 =	simm.s32 $0x1B8E;
	s24 =	sld [smem:$0x3FFE];
	[sflag:s23] =	ssyncadd.s32 $0xFFFFFFFF  }
0xa5: {  	s26 =	simm.s32 $execute0_lowered;
	[smem:$0x3FD2] =	sst s25  }
0xa6: {  	s5 =	sshll.u32 s26, $0x1;
	_ =	strace $0x80000046;
	[dreg:$0x1] =	wrdreg $0xFFFFFFFF  }
0xa7: {  	s28 =	simm.s32 $_size_execute0_lowered;
	s3 =	sadd.s32 s3, s5;
	[dreg:$0x0] =	wrdreg $0x0  }
0xa8: {  	s5 =	sshll.u32 s28, $0x1;
	[dreg:$0x2] =	wrdreg s3  }
0xa9: {  	[dreg:$0x3] =	wrdreg s5  }
0xaa: {  	[dreg:$0x4] =	wrdreg $0xC0  }
0xab: {  	_ =	task [dreg:s7], $0x5FFFF  }
0xac: {  	[dreg:$0x1] =	wrdreg $0xFFFFFFFF  }
0xad: {  	[dreg:$0x0] =	wrdreg $0x60  }
0xae: {  	[dreg:$0x2] =	wrdreg s24  }
0xaf: {  	[dreg:$0x3] =	wrdreg s2  }
0xb0: {  	[dreg:$0x4] =	wrdreg $0x9  }
0xb1: {  	_ =	task.clear_ibuf [dreg:s7], $0x5FFFF;
	_ =	strace $0x90000046  }
0xb2: {  	s29 =	simm.s32 $0x9;
	_ =	strace $0x80000048  }
0xb3: {  	_ =	swait.ge [sflag:s29], $0x1  }
0xb4: {  	[sflag:s29] =	ssyncadd.s32 $0xFFFFFFFF  }
0xb5: {  	_ =	strace $0x90000048  }
0xb6: {  	_ =	sfence  }
0xb7: {  	s30 =	sld [smem:$0x0];
	_ =	sdelay $0x2  }
0xb8: {  	s31 =	sshll.u32 s1, $0xD;
	s1 =	sshrl.u32 s1, $0x2  }
0xb9: {  	s3 =	sand.u32 $0x4000, s31;
	s1 =	sadd.s32 s1, s30  }
0xba: {  	s0 =	sor.u32 s3, s0;
	s1 =	sshll.u32 s1, $0x11  }
0xbb: {  	s0 =	sor.u32 s1, s0  }
0xbc: {  	s0 =	sadd.s32 $0x8F2B, s0  }
0xbd: {  	[sflag:s0] =	ssyncadd.remote.s32 $0x1  }
0xbe: {  	_ =	sfence.sel $0xFFFF  }
0xbf: {  	[dreg:$0x0] =	wrdreg $0xFFFFFFFF;
	(pc) =	sbr.abs _section_cstart, $3  }
0xc0: {  	[dreg:$0x1] =	wrdreg $0xFFFFFFFF  }
0xc1: {  	_ =	task.clear_ibuf [dreg:s7], $0x2FFFF;
	_ =	strace $0x9FFFFFFF  }
0xc2: {  	(tm) =	ssettm $0x7FFFFFFF  }
0xc3: {  	_ =	shalt  }
tec
execute0_lowered:
.L_overlay_start_1:
0x0: {  	(tag) =	ssettag $0x1  }
0x1: {  	s0 =	srdreg.scid;
	s17 =	stileid.u32  }
0x2: {  	s1 =	sand.u32 $0x1, s0;
	s19 =	sshll.u32 s17, $0x1  }
0x3: {  	s0 =	sor.u32 s1, s19  }
0x4: {  	s5 =	smul.u32 $0xC80, s0  }
0x5: {  	s3 =	rddreg [dreg:$0x0];
	s2 =	simm.s32 $0x0;
	s6 =	smul.u32 $0x19000, s0  }
0x6: {  	[smem:$0x7FF] =	sst s2;
	s0 =	smul.u32 $0xC8000, s0  }
0x7: {  	s4 =	rddreg [dreg:$0x1];
	_ =	strace $0x80000047;
	s5 =	sadd.s32 s5, s3  }
0x8: {  	s30 =	sadd.s32 s4, s6;
	s0 =	sshrl.u32 s0, $0x3;
	s5 =	sadd.s32 $0xA00, s5  }
0x9: {  	s20 =	sadd.s32 $0xC80, s30;
	s0 =	sadd.s32 s4, s0;
	[dreg:$0x3] =	wrdreg s5  }
0xa: {  	[dreg:$0x4] =	wrdreg s20;
	s4 =	sadd.s32 $0x1900, s0  }
0xb: {  	s21 =	sadd.s32 $0x2580, s0;
	[dreg:$0x5] =	wrdreg s4  }
0xc: {  	s22 =	sadd.s32 $0x3200, s0;
	[dreg:$0x6] =	wrdreg s21  }
0xd: {  	s23 =	sadd.s32 $0x3E80, s0;
	[dreg:$0x7] =	wrdreg s22  }
0xe: {  	s24 =	sadd.s32 $0x4B00, s0;
	[dreg:$0x8] =	wrdreg s23  }
0xf: {  	s25 =	sadd.s32 $0x5780, s0;
	[dreg:$0x9] =	wrdreg s24  }
0x10: {  	s26 =	sadd.s32 $0x6400, s0;
	[dreg:$0xa] =	wrdreg s25  }
0x11: {  	s5 =	sadd.s32 $0x7080, s0;
	[dreg:$0xb] =	wrdreg s26  }
0x12: {  	s6 =	sadd.s32 $0x7D00, s0;
	[dreg:$0xc] =	wrdreg s5  }
0x13: {  	s7 =	sadd.s32 $0x8980, s0;
	[dreg:$0xd] =	wrdreg s6  }
0x14: {  	s8 =	sadd.s32 $0x9600, s0;
	[dreg:$0xe] =	wrdreg s7  }
0x15: {  	s9 =	sadd.s32 $0xA280, s0;
	[dreg:$0xf] =	wrdreg s8  }
0x16: {  	s10 =	sadd.s32 $0xAF00, s0;
	[dreg:$0x10] =	wrdreg s9  }
0x17: {  	s11 =	sadd.s32 $0xBB80, s0;
	[dreg:$0x11] =	wrdreg s10  }
0x18: {  	s12 =	sadd.s32 $0xC800, s0;
	[dreg:$0x12] =	wrdreg s11  }
0x19: {  	s13 =	sadd.s32 $0xD480, s0;
	[dreg:$0x13] =	wrdreg s12  }
0x1a: {  	s14 =	sadd.s32 $0xE100, s0;
	[dreg:$0x14] =	wrdreg s13  }
0x1b: {  	s15 =	sadd.s32 $0xED80, s0;
	[dreg:$0x15] =	wrdreg s14  }
0x1c: {  	s16 =	sadd.s32 $0xFA00, s0;
	[dreg:$0x16] =	wrdreg s15  }
0x1d: {  	s18 =	sadd.s32 $0x10680, s0;
	[dreg:$0x17] =	wrdreg s16  }
0x1e: {  	s19 =	sadd.s32 $0x11300, s0;
	[dreg:$0x18] =	wrdreg s18  }
0x1f: {  	s20 =	sadd.s32 $0x11F80, s0;
	[dreg:$0x19] =	wrdreg s19  }
0x20: {  	[dreg:$0x1a] =	wrdreg s20;
	s21 =	sadd.s32 $0x12C00, s0  }
0x21: {  	s22 =	sadd.s32 $0x13880, s0;
	[dreg:$0x1b] =	wrdreg s21  }
0x22: {  	s23 =	sadd.s32 $0x14500, s0;
	[dreg:$0x1c] =	wrdreg s22  }
0x23: {  	s24 =	sadd.s32 $0x15180, s0;
	[dreg:$0x1d] =	wrdreg s23  }
0x24: {  	s25 =	sadd.s32 $0x15E00, s0;
	[dreg:$0x1e] =	wrdreg s24  }
0x25: {  	s31 =	simm.s32 $0x9;
	s26 =	sadd.s32 $0x16A80, s0;
	[dreg:$0x1f] =	wrdreg s25  }
0x26: {  	s29 =	simm.s32 $0x41A0;
	s5 =	sadd.s32 $0x17700, s0;
	[smem:$0x7E9] =	sst s26  }
0x27: {  	s28 =	simm.s32 $0x44C0;
	s0 =	sadd.s32 $0x18380, s0;
	[smem:$0x7EA] =	sst s5  }
0x28: {  	p0 =	por $0x0, $0x0;
	s6 =	simm.s32 $0x640;
	[smem:$0x7EB] =	sst s0  }
0x29: {  	s1 =	ssub.s32 $0x2, s1;
	s7 =	simm.s32 $0x960;
	[smem:$0x7EC] =	sst s6  }
0x2a: {  	s3 =	sadd.s32 $0xF42E00, s3;
	s9 =	simm.s32 $0xC80;
	[smem:$0x7ED] =	sst s7  }
0x2b: {  	s8 =	sshrl.u32 s1, $0x1;
	s10 =	simm.s32 $0xFA0;
	[smem:$0x7EE] =	sst s9  }
0x2c: {  	s11 =	simm.s32 $0x12C0;
	s12 =	simm.s32 $0x15E0;
	[smem:$0x7EF] =	sst s10  }
0x2d: {  	s4 =	simm.s32 $0x320;
	s13 =	simm.s32 $0x1900;
	[smem:$0x7F0] =	sst s11  }
0x2e: {  	s14 =	simm.s32 $0x1C20;
	s15 =	simm.s32 $0x1F40;
	[smem:$0x7F1] =	sst s12  }
0x2f: {  	s16 =	simm.s32 $0x1;
	s18 =	simm.s32 $0x2260;
	[smem:$0x7F2] =	sst s13  }
0x30: {  	s19 =	simm.s32 $0x2580;
	s20 =	simm.s32 $0x28A0;
	[smem:$0x7F3] =	sst s14  }
0x31: {  	s1 =	ssub.s32 s1, s8;
	s12 =	simm.s32 $0x6400;
	[smem:$0x7F4] =	sst s15  }
0x32: {  	s7 =	simm.s32 $0xC800;
	s5 =	simm.s32 $0x12C00;
	[smem:$0x7F5] =	sst s18  }
0x33: {  	s15 =	simm.s32 $0x2;
	[smem:$0x7F6] =	sst s19;
	s6 =	simm.s32 $0x19000  }
0x34: {  	[smem:$0x7F7] =	sst s20;
	s21 =	simm.s32 $0x2BC0;
	s13 =	simm.s32 $0x3  }
0x35: {  	s22 =	simm.s32 $0x2EE0;
	s8 =	simm.s32 $0x5;
	s23 =	simm.s32 $0x3200  }
0x36: {  	s14 =	simm.s32 $0x4;
	s24 =	simm.s32 $0x3520;
	s0 =	rddreg [dreg:$0x3]  }
0x37: {  	s9 =	simm.s32 $0x6;
	s25 =	simm.s32 $0x3840;
	[smem:$0x7F8] =	sst s21  }
0x38: {  	s10 =	simm.s32 $0x7;
	s1 =	smax.u32 s1, $0x1;
	[smem:$0x7F9] =	sst s22  }
0x39: {  	s26 =	simm.s32 $0x3B60;
	[smem:$0x7FA] =	sst s23;
	p1 =	sne.s32 s1, $0x1  }
.Ltmp0:
0x3a: {  	s11 =	simm.s32 $0x8;
	[smem:$0x7FB] =	sst s24;
	(pc) =	sbr.rel @!p1 .LBB2_1-.Ltmp0, $4  }
0x3b: {  	s20 =	simm.s32 $0x5AA0;
	s19 =	simm.s32 $0x5DC0;
	[smem:$0x7FC] =	sst s25  }
0x3c: {  	s18 =	simm.s32 $0x60E0;
	[smem:$0x7FD] =	sst s26;
	s26 =	simm.s32 $0x47E0  }
0x3d: {  	s25 =	simm.s32 $0x4B00;
	s24 =	simm.s32 $0x4E20;
	s23 =	simm.s32 $0x5140  }
0x3e: {  	s22 =	simm.s32 $0x5460;
	s21 =	simm.s32 $0x5780;
	s1 =	sadd.s32 $0xFFFFFFFF, s1  }
0x3f: {  	[tilespmem:s2], [sflag:$0x9] =	stream.linear.gather [hbm4b:s0+s2], $0x6400, $0x38;
	[tilespmem:$0x1F400] =	vst v63  }
0x40: {  	_ =	swait.ge [sflag:s31], $0x6400  }
0x41: {  	[sflag:s31] =	ssyncset.done $0x0  }
0x42: {  	[sflag:s31] =	ssyncadd.s32 $0xFFFF9C00  }
0x43: {  	[tilespmem:s12], [sflag:$0x1] =	stream.indirect.gather [hbm4b:s3+s4], $0x20, s2, s4, $0xb8;
	[tilespmem:$0x1F400] =	vst v63  }
0x44: {  	_ = 	snop  }
0x45: {  	[tilespmem:s7], [sflag:$0x2] =	stream.indirect.gather [hbm4b:s3+s4], $0x20, s4, s4, $0xb8;
	[tilespmem:$0x1F400] =	vst v63  }
0x46: {  	_ =	swait.ge [sflag:s16], $0x6400  }
0x47: {  	[sflag:s16] =	ssyncset.done $0x0  }
0x48: {  	s17 =	sld [smem:$0x7EC];
	[sflag:s16] =	ssyncadd.s32 $0xFFFF9C00  }
0x49: {  	[hbm4b:s30+s2] =	stream.linear.scatter [tilespmem:s12], [sflag:$0x5], $0x6400, $0x38;
	[tilespmem:$0x1F400] =	vst v63  }
0x4a: {  	_ = 	snop  }
0x4b: {  	[tilespmem:s5], [sflag:$0x3] =	stream.indirect.gather [hbm4b:s3+s4], $0x20, s17, s4, $0xb8;
	[tilespmem:$0x1F400] =	vst v63  }
0x4c: {  	_ =	swait.ge [sflag:s15], $0x6400  }
0x4d: {  	s0 =	rddreg [dreg:$0x4];
	[sflag:s15] =	ssyncset.done $0x0  }
0x4e: {  	s17 =	smov.u32 s1;
	s1 =	sld [smem:$0x7ED];
	[sflag:s15] =	ssyncadd.s32 $0xFFFF9C00  }
0x4f: {  	[hbm4b:s0+s2] =	stream.linear.scatter [tilespmem:s7], [sflag:$0x6], $0x6400, $0x38;
	[tilespmem:$0x1F400] =	vst v63  }
0x50: {  	_ = 	snop  }
0x51: {  	[tilespmem:s6], [sflag:$0x4] =	stream.indirect.gather [hbm4b:s3+s4], $0x20, s1, s4, $0xb8;
	[tilespmem:$0x1F400] =	vst v63  }
0x52: {  	_ =	swait.ge [sflag:s13], $0x6400  }
0x53: {  	[sflag:s13] =	ssyncset.done $0x0  }
0x54: {  	s1 =	rddreg [dreg:$0x5];
	[sflag:s13] =	ssyncadd.s32 $0xFFFF9C00  }
0x55: {  	[hbm4b:s1+s2] =	stream.linear.scatter [tilespmem:s5], [sflag:$0x7], $0x6400, $0x38;
	[tilespmem:$0x1F400] =	vst v63  }
0x56: {  	_ =	swait.ge [sflag:s8], $0x6400  }
0x57: {  	s1 =	sld [smem:$0x7EE]  }
0x58: {  	[sflag:s8] =	ssyncset.done $0x0  }
0x59: {  	[sflag:s8] =	ssyncadd.s32 $0xFFFF9C00  }
0x5a: {  	[tilespmem:s12], [sflag:$0x1] =	stream.indirect.gather [hbm4b:s3+s4], $0x20, s1, s4, $0xb8;
	[tilespmem:$0x1F400] =	vst v63  }
0x5b: {  	_ =	swait.ge [sflag:s14], $0x6400  }
0x5c: {  	[sflag:s14] =	ssyncset.done $0x0  }
0x5d: {  	s1 =	rddreg [dreg:$0x6];
	[sflag:s14] =	ssyncadd.s32 $0xFFFF9C00  }
0x5e: {  	[hbm4b:s1+s2] =	stream.linear.scatter [tilespmem:s6], [sflag:$0x8], $0x6400, $0x38;
	[tilespmem:$0x1F400] =	vst v63  }
0x5f: {  	_ =	swait.ge [sflag:s9], $0x6400  }
0x60: {  	s1 =	sld [smem:$0x7EF]  }
0x61: {  	[sflag:s9] =	ssyncset.done $0x0  }
0x62: {  	[sflag:s9] =	ssyncadd.s32 $0xFFFF9C00  }
0x63: {  	[tilespmem:s7], [sflag:$0x2] =	stream.indirect.gather [hbm4b:s3+s4], $0x20, s1, s4, $0xb8;
	[tilespmem:$0x1F400] =	vst v63  }
0x64: {  	_ =	swait.ge [sflag:s16], $0x6400  }
0x65: {  	[sflag:s16] =	ssyncset.done $0x0  }
0x66: {  	s1 =	rddreg [dreg:$0x7];
	[sflag:s16] =	ssyncadd.s32 $0xFFFF9C00  }
0x67: {  	[hbm4b:s1+s2] =	stream.linear.scatter [tilespmem:s12], [sflag:$0x5], $0x6400, $0x38;
	[tilespmem:$0x1F400] =	vst v63  }
0x68: {  	_ =	swait.ge [sflag:s10], $0x6400  }
0x69: {  	s1 =	sld [smem:$0x7F0]  }
0x6a: {  	[sflag:s10] =	ssyncset.done $0x0  }
0x6b: {  	[sflag:s10] =	ssyncadd.s32 $0xFFFF9C00  }
0x6c: {  	[tilespmem:s5], [sflag:$0x3] =	stream.indirect.gather [hbm4b:s3+s4], $0x20, s1, s4, $0xb8;
	[tilespmem:$0x1F400] =	vst v63  }
0x6d: {  	_ =	swait.ge [sflag:s15], $0x6400  }
0x6e: {  	[sflag:s15] =	ssyncset.done $0x0  }
0x6f: {  	s1 =	rddreg [dreg:$0x8];
	[sflag:s15] =	ssyncadd.s32 $0xFFFF9C00  }
0x70: {  	[hbm4b:s1+s2] =	stream.linear.scatter [tilespmem:s7], [sflag:$0x6], $0x6400, $0x38;
	[tilespmem:$0x1F400] =	vst v63  }
0x71: {  	_ =	swait.ge [sflag:s11], $0x6400  }
0x72: {  	s1 =	sld [smem:$0x7F1]  }
0x73: {  	[sflag:s11] =	ssyncset.done $0x0  }
0x74: {  	[sflag:s11] =	ssyncadd.s32 $0xFFFF9C00  }
0x75: {  	[tilespmem:s6], [sflag:$0x4] =	stream.indirect.gather [hbm4b:s3+s4], $0x20, s1, s4, $0xb8;
	[tilespmem:$0x1F400] =	vst v63  }
0x76: {  	_ =	swait.ge [sflag:s13], $0x6400  }
0x77: {  	[sflag:s13] =	ssyncset.done $0x0  }
0x78: {  	s1 =	rddreg [dreg:$0x9];
	[sflag:s13] =	ssyncadd.s32 $0xFFFF9C00  }
0x79: {  	[hbm4b:s1+s2] =	stream.linear.scatter [tilespmem:s5], [sflag:$0x7], $0x6400, $0x38;
	[tilespmem:$0x1F400] =	vst v63  }
0x7a: {  	_ =	swait.ge [sflag:s8], $0x6400  }
0x7b: {  	s1 =	sld [smem:$0x7F2]  }
0x7c: {  	[sflag:s8] =	ssyncset.done $0x0  }
0x7d: {  	[sflag:s8] =	ssyncadd.s32 $0xFFFF9C00  }
0x7e: {  	[tilespmem:s12], [sflag:$0x1] =	stream.indirect.gather [hbm4b:s3+s4], $0x20, s1, s4, $0xb8;
	[tilespmem:$0x1F400] =	vst v63  }
0x7f: {  	_ =	swait.ge [sflag:s14], $0x6400  }
0x80: {  	[sflag:s14] =	ssyncset.done $0x0  }
0x81: {  	s1 =	rddreg [dreg:$0xa];
	[sflag:s14] =	ssyncadd.s32 $0xFFFF9C00  }
0x82: {  	[hbm4b:s1+s2] =	stream.linear.scatter [tilespmem:s6], [sflag:$0x8], $0x6400, $0x38;
	[tilespmem:$0x1F400] =	vst v63  }
0x83: {  	_ =	swait.ge [sflag:s9], $0x6400  }
0x84: {  	s1 =	sld [smem:$0x7F3]  }
0x85: {  	[sflag:s9] =	ssyncset.done $0x0  }
0x86: {  	[sflag:s9] =	ssyncadd.s32 $0xFFFF9C00  }
0x87: {  	[tilespmem:s7], [sflag:$0x2] =	stream.indirect.gather [hbm4b:s3+s4], $0x20, s1, s4, $0xb8;
	[tilespmem:$0x1F400] =	vst v63  }
0x88: {  	_ =	swait.ge [sflag:s16], $0x6400  }
0x89: {  	[sflag:s16] =	ssyncset.done $0x0  }
0x8a: {  	s1 =	rddreg [dreg:$0xb];
	[sflag:s16] =	ssyncadd.s32 $0xFFFF9C00  }
0x8b: {  	[hbm4b:s1+s2] =	stream.linear.scatter [tilespmem:s12], [sflag:$0x5], $0x6400, $0x38;
	[tilespmem:$0x1F400] =	vst v63  }
0x8c: {  	_ =	swait.ge [sflag:s10], $0x6400  }
0x8d: {  	s1 =	sld [smem:$0x7F4]  }
0x8e: {  	[sflag:s10] =	ssyncset.done $0x0  }
0x8f: {  	[sflag:s10] =	ssyncadd.s32 $0xFFFF9C00  }
0x90: {  	[tilespmem:s5], [sflag:$0x3] =	stream.indirect.gather [hbm4b:s3+s4], $0x20, s1, s4, $0xb8;
	[tilespmem:$0x1F400] =	vst v63  }
0x91: {  	_ =	swait.ge [sflag:s15], $0x6400  }
0x92: {  	[sflag:s15] =	ssyncset.done $0x0  }
0x93: {  	s1 =	rddreg [dreg:$0xc];
	[sflag:s15] =	ssyncadd.s32 $0xFFFF9C00  }
0x94: {  	[hbm4b:s1+s2] =	stream.linear.scatter [tilespmem:s7], [sflag:$0x6], $0x6400, $0x38;
	[tilespmem:$0x1F400] =	vst v63  }
0x95: {  	_ =	swait.ge [sflag:s11], $0x6400  }
0x96: {  	s1 =	sld [smem:$0x7F5]  }
0x97: {  	[sflag:s11] =	ssyncset.done $0x0  }
0x98: {  	[sflag:s11] =	ssyncadd.s32 $0xFFFF9C00  }
0x99: {  	[tilespmem:s6], [sflag:$0x4] =	stream.indirect.gather [hbm4b:s3+s4], $0x20, s1, s4, $0xb8;
	[tilespmem:$0x1F400] =	vst v63  }
0x9a: {  	_ =	swait.ge [sflag:s13], $0x6400  }
0x9b: {  	[sflag:s13] =	ssyncset.done $0x0  }
0x9c: {  	s1 =	rddreg [dreg:$0xd];
	[sflag:s13] =	ssyncadd.s32 $0xFFFF9C00  }
0x9d: {  	[hbm4b:s1+s2] =	stream.linear.scatter [tilespmem:s5], [sflag:$0x7], $0x6400, $0x38;
	[tilespmem:$0x1F400] =	vst v63  }
0x9e: {  	_ =	swait.ge [sflag:s8], $0x6400  }
0x9f: {  	s1 =	sld [smem:$0x7F6]  }
0xa0: {  	[sflag:s8] =	ssyncset.done $0x0  }
0xa1: {  	[sflag:s8] =	ssyncadd.s32 $0xFFFF9C00  }
0xa2: {  	[tilespmem:s12], [sflag:$0x1] =	stream.indirect.gather [hbm4b:s3+s4], $0x20, s1, s4, $0xb8;
	[tilespmem:$0x1F400] =	vst v63  }
0xa3: {  	_ =	swait.ge [sflag:s14], $0x6400  }
0xa4: {  	[sflag:s14] =	ssyncset.done $0x0  }
0xa5: {  	s1 =	rddreg [dreg:$0xe];
	[sflag:s14] =	ssyncadd.s32 $0xFFFF9C00  }
0xa6: {  	[hbm4b:s1+s2] =	stream.linear.scatter [tilespmem:s6], [sflag:$0x8], $0x6400, $0x38;
	[tilespmem:$0x1F400] =	vst v63  }
0xa7: {  	_ =	swait.ge [sflag:s9], $0x6400  }
0xa8: {  	s1 =	sld [smem:$0x7F7]  }
0xa9: {  	[sflag:s9] =	ssyncset.done $0x0  }
0xaa: {  	[sflag:s9] =	ssyncadd.s32 $0xFFFF9C00  }
0xab: {  	[tilespmem:s7], [sflag:$0x2] =	stream.indirect.gather [hbm4b:s3+s4], $0x20, s1, s4, $0xb8;
	[tilespmem:$0x1F400] =	vst v63  }
0xac: {  	_ =	swait.ge [sflag:s16], $0x6400  }
0xad: {  	[sflag:s16] =	ssyncset.done $0x0  }
0xae: {  	s1 =	rddreg [dreg:$0xf];
	[sflag:s16] =	ssyncadd.s32 $0xFFFF9C00  }
0xaf: {  	[hbm4b:s1+s2] =	stream.linear.scatter [tilespmem:s12], [sflag:$0x5], $0x6400, $0x38;
	[tilespmem:$0x1F400] =	vst v63  }
0xb0: {  	_ =	swait.ge [sflag:s10], $0x6400  }
0xb1: {  	s1 =	sld [smem:$0x7F8]  }
0xb2: {  	[sflag:s10] =	ssyncset.done $0x0  }
0xb3: {  	[sflag:s10] =	ssyncadd.s32 $0xFFFF9C00  }
0xb4: {  	[tilespmem:s5], [sflag:$0x3] =	stream.indirect.gather [hbm4b:s3+s4], $0x20, s1, s4, $0xb8;
	[tilespmem:$0x1F400] =	vst v63  }
0xb5: {  	_ =	swait.ge [sflag:s15], $0x6400  }
0xb6: {  	[sflag:s15] =	ssyncset.done $0x0  }
0xb7: {  	s1 =	rddreg [dreg:$0x10];
	[sflag:s15] =	ssyncadd.s32 $0xFFFF9C00  }
0xb8: {  	[hbm4b:s1+s2] =	stream.linear.scatter [tilespmem:s7], [sflag:$0x6], $0x6400, $0x38;
	[tilespmem:$0x1F400] =	vst v63  }
0xb9: {  	_ =	swait.ge [sflag:s11], $0x6400  }
0xba: {  	s1 =	sld [smem:$0x7F9]  }
0xbb: {  	[sflag:s11] =	ssyncset.done $0x0  }
0xbc: {  	[sflag:s11] =	ssyncadd.s32 $0xFFFF9C00  }
0xbd: {  	[tilespmem:s6], [sflag:$0x4] =	stream.indirect.gather [hbm4b:s3+s4], $0x20, s1, s4, $0xb8;
	[tilespmem:$0x1F400] =	vst v63  }
0xbe: {  	_ =	swait.ge [sflag:s13], $0x6400  }
0xbf: {  	[sflag:s13] =	ssyncset.done $0x0  }
0xc0: {  	s1 =	rddreg [dreg:$0x11];
	[sflag:s13] =	ssyncadd.s32 $0xFFFF9C00  }
0xc1: {  	[hbm4b:s1+s2] =	stream.linear.scatter [tilespmem:s5], [sflag:$0x7], $0x6400, $0x38;
	[tilespmem:$0x1F400] =	vst v63  }
0xc2: {  	_ =	swait.ge [sflag:s8], $0x6400  }
0xc3: {  	s1 =	sld [smem:$0x7FA]  }
0xc4: {  	[sflag:s8] =	ssyncset.done $0x0  }
0xc5: {  	[sflag:s8] =	ssyncadd.s32 $0xFFFF9C00  }
0xc6: {  	[tilespmem:s12], [sflag:$0x1] =	stream.indirect.gather [hbm4b:s3+s4], $0x20, s1, s4, $0xb8;
	[tilespmem:$0x1F400] =	vst v63  }
0xc7: {  	_ =	swait.ge [sflag:s14], $0x6400  }
0xc8: {  	[sflag:s14] =	ssyncset.done $0x0  }
0xc9: {  	s1 =	rddreg [dreg:$0x12];
	[sflag:s14] =	ssyncadd.s32 $0xFFFF9C00  }
0xca: {  	[hbm4b:s1+s2] =	stream.linear.scatter [tilespmem:s6], [sflag:$0x8], $0x6400, $0x38;
	[tilespmem:$0x1F400] =	vst v63  }
0xcb: {  	_ =	swait.ge [sflag:s9], $0x6400  }
0xcc: {  	s1 =	sld [smem:$0x7FB]  }
0xcd: {  	[sflag:s9] =	ssyncset.done $0x0  }
0xce: {  	[sflag:s9] =	ssyncadd.s32 $0xFFFF9C00  }
0xcf: {  	[tilespmem:s7], [sflag:$0x2] =	stream.indirect.gather [hbm4b:s3+s4], $0x20, s1, s4, $0xb8;
	[tilespmem:$0x1F400] =	vst v63  }
0xd0: {  	_ =	swait.ge [sflag:s16], $0x6400  }
0xd1: {  	[sflag:s16] =	ssyncset.done $0x0  }
0xd2: {  	s1 =	rddreg [dreg:$0x13];
	[sflag:s16] =	ssyncadd.s32 $0xFFFF9C00  }
0xd3: {  	[hbm4b:s1+s2] =	stream.linear.scatter [tilespmem:s12], [sflag:$0x5], $0x6400, $0x38;
	[tilespmem:$0x1F400] =	vst v63  }
0xd4: {  	_ =	swait.ge [sflag:s10], $0x6400  }
0xd5: {  	s1 =	sld [smem:$0x7FC]  }
0xd6: {  	[sflag:s10] =	ssyncset.done $0x0  }
0xd7: {  	[sflag:s10] =	ssyncadd.s32 $0xFFFF9C00  }
0xd8: {  	[tilespmem:s5], [sflag:$0x3] =	stream.indirect.gather [hbm4b:s3+s4], $0x20, s1, s4, $0xb8;
	[tilespmem:$0x1F400] =	vst v63  }
0xd9: {  	_ =	swait.ge [sflag:s15], $0x6400  }
0xda: {  	[sflag:s15] =	ssyncset.done $0x0  }
0xdb: {  	s1 =	rddreg [dreg:$0x14];
	[sflag:s15] =	ssyncadd.s32 $0xFFFF9C00  }
0xdc: {  	[hbm4b:s1+s2] =	stream.linear.scatter [tilespmem:s7], [sflag:$0x6], $0x6400, $0x38;
	[tilespmem:$0x1F400] =	vst v63  }
0xdd: {  	_ =	swait.ge [sflag:s11], $0x6400  }
0xde: {  	s1 =	sld [smem:$0x7FD]  }
0xdf: {  	[sflag:s11] =	ssyncset.done $0x0  }
0xe0: {  	[sflag:s11] =	ssyncadd.s32 $0xFFFF9C00  }
0xe1: {  	[tilespmem:s6], [sflag:$0x4] =	stream.indirect.gather [hbm4b:s3+s4], $0x20, s1, s4, $0xb8;
	[tilespmem:$0x1F400] =	vst v63  }
0xe2: {  	_ =	swait.ge [sflag:s13], $0x6400  }
0xe3: {  	[sflag:s13] =	ssyncset.done $0x0  }
0xe4: {  	s1 =	rddreg [dreg:$0x15];
	[sflag:s13] =	ssyncadd.s32 $0xFFFF9C00  }
0xe5: {  	[hbm4b:s1+s2] =	stream.linear.scatter [tilespmem:s5], [sflag:$0x7], $0x6400, $0x38;
	[tilespmem:$0x1F400] =	vst v63  }
0xe6: {  	_ =	swait.ge [sflag:s8], $0x6400  }
0xe7: {  	[sflag:s8] =	ssyncset.done $0x0  }
0xe8: {  	s1 =	simm.s32 $0x3E80;
	[sflag:s8] =	ssyncadd.s32 $0xFFFF9C00  }
0xe9: {  	[tilespmem:s12], [sflag:$0x1] =	stream.indirect.gather [hbm4b:s3+s4], $0x20, s1, s4, $0xb8;
	[tilespmem:$0x1F400] =	vst v63  }
0xea: {  	_ =	swait.ge [sflag:s14], $0x6400  }
0xeb: {  	[sflag:s14] =	ssyncset.done $0x0  }
0xec: {  	s1 =	rddreg [dreg:$0x16];
	[sflag:s14] =	ssyncadd.s32 $0xFFFF9C00  }
0xed: {  	[hbm4b:s1+s2] =	stream.linear.scatter [tilespmem:s6], [sflag:$0x8], $0x6400, $0x38;
	[tilespmem:$0x1F400] =	vst v63  }
0xee: {  	_ =	swait.ge [sflag:s9], $0x6400  }
0xef: {  	[sflag:s9] =	ssyncset.done $0x0  }
0xf0: {  	[sflag:s9] =	ssyncadd.s32 $0xFFFF9C00  }
0xf1: {  	[tilespmem:s7], [sflag:$0x2] =	stream.indirect.gather [hbm4b:s3+s4], $0x20, s29, s4, $0xb8;
	[tilespmem:$0x1F400] =	vst v63  }
0xf2: {  	_ =	swait.ge [sflag:s16], $0x6400  }
0xf3: {  	[sflag:s16] =	ssyncset.done $0x0  }
0xf4: {  	s1 =	rddreg [dreg:$0x17];
	[sflag:s16] =	ssyncadd.s32 $0xFFFF9C00  }
0xf5: {  	[hbm4b:s1+s2] =	stream.linear.scatter [tilespmem:s12], [sflag:$0x5], $0x6400, $0x38;
	[tilespmem:$0x1F400] =	vst v63  }
0xf6: {  	_ =	swait.ge [sflag:s10], $0x6400  }
0xf7: {  	[sflag:s10] =	ssyncset.done $0x0  }
0xf8: {  	[sflag:s10] =	ssyncadd.s32 $0xFFFF9C00  }
0xf9: {  	[tilespmem:s5], [sflag:$0x3] =	stream.indirect.gather [hbm4b:s3+s4], $0x20, s28, s4, $0xb8;
	[tilespmem:$0x1F400] =	vst v63  }
0xfa: {  	_ =	swait.ge [sflag:s15], $0x6400  }
0xfb: {  	[sflag:s15] =	ssyncset.done $0x0  }
0xfc: {  	s1 =	rddreg [dreg:$0x18];
	[sflag:s15] =	ssyncadd.s32 $0xFFFF9C00  }
0xfd: {  	[hbm4b:s1+s2] =	stream.linear.scatter [tilespmem:s7], [sflag:$0x6], $0x6400, $0x38;
	[tilespmem:$0x1F400] =	vst v63  }
0xfe: {  	_ =	swait.ge [sflag:s11], $0x6400  }
0xff: {  	[sflag:s11] =	ssyncset.done $0x0  }
0x100: {  	[sflag:s11] =	ssyncadd.s32 $0xFFFF9C00  }
0x101: {  	[tilespmem:s6], [sflag:$0x4] =	stream.indirect.gather [hbm4b:s3+s4], $0x20, s26, s4, $0xb8;
	[tilespmem:$0x1F400] =	vst v63  }
0x102: {  	_ =	swait.ge [sflag:s13], $0x6400  }
0x103: {  	[sflag:s13] =	ssyncset.done $0x0  }
0x104: {  	s1 =	rddreg [dreg:$0x19];
	[sflag:s13] =	ssyncadd.s32 $0xFFFF9C00  }
0x105: {  	[hbm4b:s1+s2] =	stream.linear.scatter [tilespmem:s5], [sflag:$0x7], $0x6400, $0x38;
	[tilespmem:$0x1F400] =	vst v63  }
0x106: {  	_ =	swait.ge [sflag:s8], $0x6400  }
0x107: {  	[sflag:s8] =	ssyncset.done $0x0  }
0x108: {  	[sflag:s8] =	ssyncadd.s32 $0xFFFF9C00  }
0x109: {  	[tilespmem:s12], [sflag:$0x1] =	stream.indirect.gather [hbm4b:s3+s4], $0x20, s25, s4, $0xb8;
	[tilespmem:$0x1F400] =	vst v63  }
0x10a: {  	_ =	swait.ge [sflag:s14], $0x6400  }
0x10b: {  	[sflag:s14] =	ssyncset.done $0x0  }
0x10c: {  	s1 =	rddreg [dreg:$0x1a];
	[sflag:s14] =	ssyncadd.s32 $0xFFFF9C00  }
0x10d: {  	[hbm4b:s1+s2] =	stream.linear.scatter [tilespmem:s6], [sflag:$0x8], $0x6400, $0x38;
	[tilespmem:$0x1F400] =	vst v63  }
0x10e: {  	_ =	swait.ge [sflag:s9], $0x6400  }
0x10f: {  	[sflag:s9] =	ssyncset.done $0x0  }
0x110: {  	[sflag:s9] =	ssyncadd.s32 $0xFFFF9C00  }
0x111: {  	[tilespmem:s7], [sflag:$0x2] =	stream.indirect.gather [hbm4b:s3+s4], $0x20, s24, s4, $0xb8;
	[tilespmem:$0x1F400] =	vst v63  }
0x112: {  	_ =	swait.ge [sflag:s16], $0x6400  }
0x113: {  	[sflag:s16] =	ssyncset.done $0x0  }
0x114: {  	s1 =	rddreg [dreg:$0x1b];
	[sflag:s16] =	ssyncadd.s32 $0xFFFF9C00  }
0x115: {  	[hbm4b:s1+s2] =	stream.linear.scatter [tilespmem:s12], [sflag:$0x5], $0x6400, $0x38;
	[tilespmem:$0x1F400] =	vst v63  }
0x116: {  	_ =	swait.ge [sflag:s10], $0x6400  }
0x117: {  	[sflag:s10] =	ssyncset.done $0x0  }
0x118: {  	[sflag:s10] =	ssyncadd.s32 $0xFFFF9C00  }
0x119: {  	[tilespmem:s5], [sflag:$0x3] =	stream.indirect.gather [hbm4b:s3+s4], $0x20, s23, s4, $0xb8;
	[tilespmem:$0x1F400] =	vst v63  }
0x11a: {  	_ =	swait.ge [sflag:s15], $0x6400  }
0x11b: {  	[sflag:s15] =	ssyncset.done $0x0  }
0x11c: {  	s1 =	rddreg [dreg:$0x1c];
	[sflag:s15] =	ssyncadd.s32 $0xFFFF9C00  }
0x11d: {  	[hbm4b:s1+s2] =	stream.linear.scatter [tilespmem:s7], [sflag:$0x6], $0x6400, $0x38;
	[tilespmem:$0x1F400] =	vst v63  }
0x11e: {  	_ =	swait.ge [sflag:s11], $0x6400  }
0x11f: {  	[sflag:s11] =	ssyncset.done $0x0  }
0x120: {  	[sflag:s11] =	ssyncadd.s32 $0xFFFF9C00  }
0x121: {  	[tilespmem:s6], [sflag:$0x4] =	stream.indirect.gather [hbm4b:s3+s4], $0x20, s22, s4, $0xb8;
	[tilespmem:$0x1F400] =	vst v63  }
0x122: {  	_ =	swait.ge [sflag:s13], $0x6400  }
0x123: {  	[sflag:s13] =	ssyncset.done $0x0  }
0x124: {  	s1 =	rddreg [dreg:$0x1d];
	[sflag:s13] =	ssyncadd.s32 $0xFFFF9C00  }
0x125: {  	[hbm4b:s1+s2] =	stream.linear.scatter [tilespmem:s5], [sflag:$0x7], $0x6400, $0x38;
	[tilespmem:$0x1F400] =	vst v63  }
0x126: {  	_ =	swait.ge [sflag:s8], $0x6400  }
0x127: {  	[sflag:s8] =	ssyncset.done $0x0  }
0x128: {  	[sflag:s8] =	ssyncadd.s32 $0xFFFF9C00  }
0x129: {  	[tilespmem:s12], [sflag:$0x1] =	stream.indirect.gather [hbm4b:s3+s4], $0x20, s21, s4, $0xb8;
	[tilespmem:$0x1F400] =	vst v63  }
0x12a: {  	_ =	swait.ge [sflag:s14], $0x6400  }
0x12b: {  	[sflag:s14] =	ssyncset.done $0x0  }
0x12c: {  	s1 =	rddreg [dreg:$0x1e];
	[sflag:s14] =	ssyncadd.s32 $0xFFFF9C00  }
0x12d: {  	[hbm4b:s1+s2] =	stream.linear.scatter [tilespmem:s6], [sflag:$0x8], $0x6400, $0x38;
	[tilespmem:$0x1F400] =	vst v63  }
0x12e: {  	_ =	swait.ge [sflag:s9], $0x6400  }
0x12f: {  	[sflag:s9] =	ssyncset.done $0x0  }
0x130: {  	[sflag:s9] =	ssyncadd.s32 $0xFFFF9C00  }
0x131: {  	[tilespmem:s7], [sflag:$0x2] =	stream.indirect.gather [hbm4b:s3+s4], $0x20, s20, s4, $0xb8;
	[tilespmem:$0x1F400] =	vst v63  }
0x132: {  	_ =	swait.ge [sflag:s16], $0x6400  }
0x133: {  	[sflag:s16] =	ssyncset.done $0x0  }
0x134: {  	s1 =	rddreg [dreg:$0x1f];
	[sflag:s16] =	ssyncadd.s32 $0xFFFF9C00  }
0x135: {  	[hbm4b:s1+s2] =	stream.linear.scatter [tilespmem:s12], [sflag:$0x5], $0x6400, $0x38;
	[tilespmem:$0x1F400] =	vst v63  }
0x136: {  	_ =	swait.ge [sflag:s10], $0x6400  }
0x137: {  	[sflag:s10] =	ssyncset.done $0x0  }
0x138: {  	[sflag:s10] =	ssyncadd.s32 $0xFFFF9C00  }
0x139: {  	[tilespmem:s5], [sflag:$0x3] =	stream.indirect.gather [hbm4b:s3+s4], $0x20, s19, s4, $0xb8;
	[tilespmem:$0x1F400] =	vst v63  }
0x13a: {  	_ =	swait.ge [sflag:s15], $0x6400  }
0x13b: {  	s1 =	sld [smem:$0x7E9]  }
0x13c: {  	[sflag:s15] =	ssyncset.done $0x0  }
0x13d: {  	[sflag:s15] =	ssyncadd.s32 $0xFFFF9C00  }
0x13e: {  	[hbm4b:s1+s2] =	stream.linear.scatter [tilespmem:s7], [sflag:$0x6], $0x6400, $0x38;
	[tilespmem:$0x1F400] =	vst v63  }
0x13f: {  	_ =	swait.ge [sflag:s11], $0x6400  }
0x140: {  	[sflag:s11] =	ssyncset.done $0x0  }
0x141: {  	[sflag:s11] =	ssyncadd.s32 $0xFFFF9C00  }
0x142: {  	[tilespmem:s6], [sflag:$0x4] =	stream.indirect.gather [hbm4b:s3+s4], $0x20, s18, s4, $0xb8;
	[tilespmem:$0x1F400] =	vst v63  }
0x143: {  	_ =	swait.ge [sflag:s13], $0x6400  }
0x144: {  	s1 =	sld [smem:$0x7EA]  }
0x145: {  	[sflag:s13] =	ssyncset.done $0x0  }
0x146: {  	[sflag:s13] =	ssyncadd.s32 $0xFFFF9C00  }
0x147: {  	[hbm4b:s1+s2] =	stream.linear.scatter [tilespmem:s5], [sflag:$0x7], $0x6400, $0x38;
	[tilespmem:$0x1F400] =	vst v63  }
0x148: {  	_ =	swait.ge [sflag:s14], $0x6400  }
0x149: {  	s1 =	sld [smem:$0x7EB]  }
0x14a: {  	[sflag:s14] =	ssyncset.done $0x0  }
0x14b: {  	[sflag:s14] =	ssyncadd.s32 $0xFFFF9C00  }
0x14c: {  	[hbm4b:s1+s2] =	stream.linear.scatter [tilespmem:s6], [sflag:$0x8], $0x6400, $0x38;
	[tilespmem:$0x1F400] =	vst v63  }
0x14d: {  	_ =	swait.ge [sflag:s8], $0x6400  }
0x14e: {  	[sflag:s8] =	ssyncset.done $0x0  }
0x14f: {  	[sflag:s8] =	ssyncadd.s32 $0xFFFF9C00  }
0x150: {  	_ =	swait.ge [sflag:s9], $0x6400  }
0x151: {  	[sflag:s9] =	ssyncset.done $0x0  }
0x152: {  	p1 =	sne.s32 s17, $0x1;
	[sflag:s9] =	ssyncadd.s32 $0xFFFF9C00  }
.Ltmp1:
0x153: {  	_ =	swait.ge [sflag:s10], $0x6400;
	(pc) =	sbr.rel @!p1 .LBB2_3-.Ltmp1, $4  }
0x154: {  	[sflag:s10] =	ssyncset.done $0x0  }
0x155: {  	[sflag:s10] =	ssyncadd.s32 $0xFFFF9C00  }
0x156: {  	p0 =	por $0x1, $0x1;
	_ =	swait.ge [sflag:s11], $0x6400  }
0x157: {  	s1 =	sadd.s32 $0xFFFFFFFF, s17;
	s0 =	rddreg [dreg:$0x3];
	[sflag:s11] =	ssyncset.done $0x0  }
.LBB2_4:
0x158: {  	[sflag:s11] =	ssyncadd.s32 $0xFFFF9C00  }
0x159: {  	[tilespmem:s2], [sflag:$0x9] =	stream.linear.gather [hbm4b:s0+s2], $0x6400, $0x38;
	[tilespmem:$0x1F400] =	vst v63  }
0x15a: {  	_ =	swait.ge [sflag:s31], $0x6400  }
0x15b: {  	[sflag:s31] =	ssyncset.done $0x0  }
0x15c: {  	[sflag:s31] =	ssyncadd.s32 $0xFFFF9C00  }
0x15d: {  	[tilespmem:s12], [sflag:$0x1] =	stream.indirect.gather [hbm4b:s3+s4], $0x20, s2, s4, $0xb8;
	[tilespmem:$0x1F400] =	vst v63  }
0x15e: {  	_ = 	snop  }
0x15f: {  	[tilespmem:s7], [sflag:$0x2] =	stream.indirect.gather [hbm4b:s3+s4], $0x20, s4, s4, $0xb8;
	[tilespmem:$0x1F400] =	vst v63  }
0x160: {  	_ =	swait.ge [sflag:s16], $0x6400  }
0x161: {  	[sflag:s16] =	ssyncset.done $0x0  }
0x162: {  	s17 =	sld [smem:$0x7EC];
	[sflag:s16] =	ssyncadd.s32 $0xFFFF9C00  }
0x163: {  	[hbm4b:s30+s2] =	stream.linear.scatter [tilespmem:s12], [sflag:$0x5], $0x6400, $0x38;
	[tilespmem:$0x1F400] =	vst v63  }
0x164: {  	_ = 	snop  }
0x165: {  	[tilespmem:s5], [sflag:$0x3] =	stream.indirect.gather [hbm4b:s3+s4], $0x20, s17, s4, $0xb8;
	[tilespmem:$0x1F400] =	vst v63  }
0x166: {  	_ =	swait.ge [sflag:s15], $0x6400  }
0x167: {  	s0 =	rddreg [dreg:$0x4];
	[sflag:s15] =	ssyncset.done $0x0  }
0x168: {  	s17 =	sld [smem:$0x7ED];
	[sflag:s15] =	ssyncadd.s32 $0xFFFF9C00  }
0x169: {  	[hbm4b:s0+s2] =	stream.linear.scatter [tilespmem:s7], [sflag:$0x6], $0x6400, $0x38;
	[tilespmem:$0x1F400] =	vst v63  }
0x16a: {  	_ = 	snop  }
0x16b: {  	[tilespmem:s6], [sflag:$0x4] =	stream.indirect.gather [hbm4b:s3+s4], $0x20, s17, s4, $0xb8;
	[tilespmem:$0x1F400] =	vst v63  }
0x16c: {  	_ =	swait.ge [sflag:s13], $0x6400  }
0x16d: {  	[sflag:s13] =	ssyncset.done $0x0  }
0x16e: {  	s17 =	rddreg [dreg:$0x5];
	[sflag:s13] =	ssyncadd.s32 $0xFFFF9C00  }
0x16f: {  	[hbm4b:s17+s2] =	stream.linear.scatter [tilespmem:s5], [sflag:$0x7], $0x6400, $0x38;
	[tilespmem:$0x1F400] =	vst v63  }
0x170: {  	_ =	swait.ge [sflag:s8], $0x6400  }
0x171: {  	s17 =	sld [smem:$0x7EE]  }
0x172: {  	[sflag:s8] =	ssyncset.done $0x0  }
0x173: {  	[sflag:s8] =	ssyncadd.s32 $0xFFFF9C00  }
0x174: {  	[tilespmem:s12], [sflag:$0x1] =	stream.indirect.gather [hbm4b:s3+s4], $0x20, s17, s4, $0xb8;
	[tilespmem:$0x1F400] =	vst v63  }
0x175: {  	_ =	swait.ge [sflag:s14], $0x6400  }
0x176: {  	[sflag:s14] =	ssyncset.done $0x0  }
0x177: {  	s17 =	rddreg [dreg:$0x6];
	[sflag:s14] =	ssyncadd.s32 $0xFFFF9C00  }
0x178: {  	[hbm4b:s17+s2] =	stream.linear.scatter [tilespmem:s6], [sflag:$0x8], $0x6400, $0x38;
	[tilespmem:$0x1F400] =	vst v63  }
0x179: {  	_ =	swait.ge [sflag:s9], $0x6400  }
0x17a: {  	s17 =	sld [smem:$0x7EF]  }
0x17b: {  	[sflag:s9] =	ssyncset.done $0x0  }
0x17c: {  	[sflag:s9] =	ssyncadd.s32 $0xFFFF9C00  }
0x17d: {  	[tilespmem:s7], [sflag:$0x2] =	stream.indirect.gather [hbm4b:s3+s4], $0x20, s17, s4, $0xb8;
	[tilespmem:$0x1F400] =	vst v63  }
0x17e: {  	_ =	swait.ge [sflag:s16], $0x6400  }
0x17f: {  	[sflag:s16] =	ssyncset.done $0x0  }
0x180: {  	s17 =	rddreg [dreg:$0x7];
	[sflag:s16] =	ssyncadd.s32 $0xFFFF9C00  }
0x181: {  	[hbm4b:s17+s2] =	stream.linear.scatter [tilespmem:s12], [sflag:$0x5], $0x6400, $0x38;
	[tilespmem:$0x1F400] =	vst v63  }
0x182: {  	_ =	swait.ge [sflag:s10], $0x6400  }
0x183: {  	s17 =	sld [smem:$0x7F0]  }
0x184: {  	[sflag:s10] =	ssyncset.done $0x0  }
0x185: {  	[sflag:s10] =	ssyncadd.s32 $0xFFFF9C00  }
0x186: {  	[tilespmem:s5], [sflag:$0x3] =	stream.indirect.gather [hbm4b:s3+s4], $0x20, s17, s4, $0xb8;
	[tilespmem:$0x1F400] =	vst v63  }
0x187: {  	_ =	swait.ge [sflag:s15], $0x6400  }
0x188: {  	[sflag:s15] =	ssyncset.done $0x0  }
0x189: {  	s17 =	rddreg [dreg:$0x8];
	[sflag:s15] =	ssyncadd.s32 $0xFFFF9C00  }
0x18a: {  	[hbm4b:s17+s2] =	stream.linear.scatter [tilespmem:s7], [sflag:$0x6], $0x6400, $0x38;
	[tilespmem:$0x1F400] =	vst v63  }
0x18b: {  	_ =	swait.ge [sflag:s11], $0x6400  }
0x18c: {  	s17 =	sld [smem:$0x7F1]  }
0x18d: {  	[sflag:s11] =	ssyncset.done $0x0  }
0x18e: {  	[sflag:s11] =	ssyncadd.s32 $0xFFFF9C00  }
0x18f: {  	[tilespmem:s6], [sflag:$0x4] =	stream.indirect.gather [hbm4b:s3+s4], $0x20, s17, s4, $0xb8;
	[tilespmem:$0x1F400] =	vst v63  }
0x190: {  	_ =	swait.ge [sflag:s13], $0x6400  }
0x191: {  	[sflag:s13] =	ssyncset.done $0x0  }
0x192: {  	s17 =	rddreg [dreg:$0x9];
	[sflag:s13] =	ssyncadd.s32 $0xFFFF9C00  }
0x193: {  	[hbm4b:s17+s2] =	stream.linear.scatter [tilespmem:s5], [sflag:$0x7], $0x6400, $0x38;
	[tilespmem:$0x1F400] =	vst v63  }
0x194: {  	_ =	swait.ge [sflag:s8], $0x6400  }
0x195: {  	s17 =	sld [smem:$0x7F2]  }
0x196: {  	[sflag:s8] =	ssyncset.done $0x0  }
0x197: {  	[sflag:s8] =	ssyncadd.s32 $0xFFFF9C00  }
0x198: {  	[tilespmem:s12], [sflag:$0x1] =	stream.indirect.gather [hbm4b:s3+s4], $0x20, s17, s4, $0xb8;
	[tilespmem:$0x1F400] =	vst v63  }
0x199: {  	_ =	swait.ge [sflag:s14], $0x6400  }
0x19a: {  	[sflag:s14] =	ssyncset.done $0x0  }
0x19b: {  	s17 =	rddreg [dreg:$0xa];
	[sflag:s14] =	ssyncadd.s32 $0xFFFF9C00  }
0x19c: {  	[hbm4b:s17+s2] =	stream.linear.scatter [tilespmem:s6], [sflag:$0x8], $0x6400, $0x38;
	[tilespmem:$0x1F400] =	vst v63  }
0x19d: {  	_ =	swait.ge [sflag:s9], $0x6400  }
0x19e: {  	s17 =	sld [smem:$0x7F3]  }
0x19f: {  	[sflag:s9] =	ssyncset.done $0x0  }
0x1a0: {  	[sflag:s9] =	ssyncadd.s32 $0xFFFF9C00  }
0x1a1: {  	[tilespmem:s7], [sflag:$0x2] =	stream.indirect.gather [hbm4b:s3+s4], $0x20, s17, s4, $0xb8;
	[tilespmem:$0x1F400] =	vst v63  }
0x1a2: {  	_ =	swait.ge [sflag:s16], $0x6400  }
0x1a3: {  	[sflag:s16] =	ssyncset.done $0x0  }
0x1a4: {  	s17 =	rddreg [dreg:$0xb];
	[sflag:s16] =	ssyncadd.s32 $0xFFFF9C00  }
0x1a5: {  	[hbm4b:s17+s2] =	stream.linear.scatter [tilespmem:s12], [sflag:$0x5], $0x6400, $0x38;
	[tilespmem:$0x1F400] =	vst v63  }
0x1a6: {  	_ =	swait.ge [sflag:s10], $0x6400  }
0x1a7: {  	s17 =	sld [smem:$0x7F4]  }
0x1a8: {  	[sflag:s10] =	ssyncset.done $0x0  }
0x1a9: {  	[sflag:s10] =	ssyncadd.s32 $0xFFFF9C00  }
0x1aa: {  	[tilespmem:s5], [sflag:$0x3] =	stream.indirect.gather [hbm4b:s3+s4], $0x20, s17, s4, $0xb8;
	[tilespmem:$0x1F400] =	vst v63  }
0x1ab: {  	_ =	swait.ge [sflag:s15], $0x6400  }
0x1ac: {  	[sflag:s15] =	ssyncset.done $0x0  }
0x1ad: {  	s17 =	rddreg [dreg:$0xc];
	[sflag:s15] =	ssyncadd.s32 $0xFFFF9C00  }
0x1ae: {  	[hbm4b:s17+s2] =	stream.linear.scatter [tilespmem:s7], [sflag:$0x6], $0x6400, $0x38;
	[tilespmem:$0x1F400] =	vst v63  }
0x1af: {  	_ =	swait.ge [sflag:s11], $0x6400  }
0x1b0: {  	s17 =	sld [smem:$0x7F5]  }
0x1b1: {  	[sflag:s11] =	ssyncset.done $0x0  }
0x1b2: {  	[sflag:s11] =	ssyncadd.s32 $0xFFFF9C00  }
0x1b3: {  	[tilespmem:s6], [sflag:$0x4] =	stream.indirect.gather [hbm4b:s3+s4], $0x20, s17, s4, $0xb8;
	[tilespmem:$0x1F400] =	vst v63  }
0x1b4: {  	_ =	swait.ge [sflag:s13], $0x6400  }
0x1b5: {  	[sflag:s13] =	ssyncset.done $0x0  }
0x1b6: {  	s17 =	rddreg [dreg:$0xd];
	[sflag:s13] =	ssyncadd.s32 $0xFFFF9C00  }
0x1b7: {  	[hbm4b:s17+s2] =	stream.linear.scatter [tilespmem:s5], [sflag:$0x7], $0x6400, $0x38;
	[tilespmem:$0x1F400] =	vst v63  }
0x1b8: {  	_ =	swait.ge [sflag:s8], $0x6400  }
0x1b9: {  	s17 =	sld [smem:$0x7F6]  }
0x1ba: {  	[sflag:s8] =	ssyncset.done $0x0  }
0x1bb: {  	[sflag:s8] =	ssyncadd.s32 $0xFFFF9C00  }
0x1bc: {  	[tilespmem:s12], [sflag:$0x1] =	stream.indirect.gather [hbm4b:s3+s4], $0x20, s17, s4, $0xb8;
	[tilespmem:$0x1F400] =	vst v63  }
0x1bd: {  	_ =	swait.ge [sflag:s14], $0x6400  }
0x1be: {  	[sflag:s14] =	ssyncset.done $0x0  }
0x1bf: {  	s17 =	rddreg [dreg:$0xe];
	[sflag:s14] =	ssyncadd.s32 $0xFFFF9C00  }
0x1c0: {  	[hbm4b:s17+s2] =	stream.linear.scatter [tilespmem:s6], [sflag:$0x8], $0x6400, $0x38;
	[tilespmem:$0x1F400] =	vst v63  }
0x1c1: {  	_ =	swait.ge [sflag:s9], $0x6400  }
0x1c2: {  	s17 =	sld [smem:$0x7F7]  }
0x1c3: {  	[sflag:s9] =	ssyncset.done $0x0  }
0x1c4: {  	[sflag:s9] =	ssyncadd.s32 $0xFFFF9C00  }
0x1c5: {  	[tilespmem:s7], [sflag:$0x2] =	stream.indirect.gather [hbm4b:s3+s4], $0x20, s17, s4, $0xb8;
	[tilespmem:$0x1F400] =	vst v63  }
0x1c6: {  	_ =	swait.ge [sflag:s16], $0x6400  }
0x1c7: {  	[sflag:s16] =	ssyncset.done $0x0  }
0x1c8: {  	s17 =	rddreg [dreg:$0xf];
	[sflag:s16] =	ssyncadd.s32 $0xFFFF9C00  }
0x1c9: {  	[hbm4b:s17+s2] =	stream.linear.scatter [tilespmem:s12], [sflag:$0x5], $0x6400, $0x38;
	[tilespmem:$0x1F400] =	vst v63  }
0x1ca: {  	_ =	swait.ge [sflag:s10], $0x6400  }
0x1cb: {  	s17 =	sld [smem:$0x7F8]  }
0x1cc: {  	[sflag:s10] =	ssyncset.done $0x0  }
0x1cd: {  	[sflag:s10] =	ssyncadd.s32 $0xFFFF9C00  }
0x1ce: {  	[tilespmem:s5], [sflag:$0x3] =	stream.indirect.gather [hbm4b:s3+s4], $0x20, s17, s4, $0xb8;
	[tilespmem:$0x1F400] =	vst v63  }
0x1cf: {  	_ =	swait.ge [sflag:s15], $0x6400  }
0x1d0: {  	[sflag:s15] =	ssyncset.done $0x0  }
0x1d1: {  	s17 =	rddreg [dreg:$0x10];
	[sflag:s15] =	ssyncadd.s32 $0xFFFF9C00  }
0x1d2: {  	[hbm4b:s17+s2] =	stream.linear.scatter [tilespmem:s7], [sflag:$0x6], $0x6400, $0x38;
	[tilespmem:$0x1F400] =	vst v63  }
0x1d3: {  	_ =	swait.ge [sflag:s11], $0x6400  }
0x1d4: {  	s17 =	sld [smem:$0x7F9]  }
0x1d5: {  	[sflag:s11] =	ssyncset.done $0x0  }
0x1d6: {  	[sflag:s11] =	ssyncadd.s32 $0xFFFF9C00  }
0x1d7: {  	[tilespmem:s6], [sflag:$0x4] =	stream.indirect.gather [hbm4b:s3+s4], $0x20, s17, s4, $0xb8;
	[tilespmem:$0x1F400] =	vst v63  }
0x1d8: {  	_ =	swait.ge [sflag:s13], $0x6400  }
0x1d9: {  	[sflag:s13] =	ssyncset.done $0x0  }
0x1da: {  	s17 =	rddreg [dreg:$0x11];
	[sflag:s13] =	ssyncadd.s32 $0xFFFF9C00  }
0x1db: {  	[hbm4b:s17+s2] =	stream.linear.scatter [tilespmem:s5], [sflag:$0x7], $0x6400, $0x38;
	[tilespmem:$0x1F400] =	vst v63  }
0x1dc: {  	_ =	swait.ge [sflag:s8], $0x6400  }
0x1dd: {  	s17 =	sld [smem:$0x7FA]  }
0x1de: {  	[sflag:s8] =	ssyncset.done $0x0  }
0x1df: {  	[sflag:s8] =	ssyncadd.s32 $0xFFFF9C00  }
0x1e0: {  	[tilespmem:s12], [sflag:$0x1] =	stream.indirect.gather [hbm4b:s3+s4], $0x20, s17, s4, $0xb8;
	[tilespmem:$0x1F400] =	vst v63  }
0x1e1: {  	_ =	swait.ge [sflag:s14], $0x6400  }
0x1e2: {  	[sflag:s14] =	ssyncset.done $0x0  }
0x1e3: {  	s17 =	rddreg [dreg:$0x12];
	[sflag:s14] =	ssyncadd.s32 $0xFFFF9C00  }
0x1e4: {  	[hbm4b:s17+s2] =	stream.linear.scatter [tilespmem:s6], [sflag:$0x8], $0x6400, $0x38;
	[tilespmem:$0x1F400] =	vst v63  }
0x1e5: {  	_ =	swait.ge [sflag:s9], $0x6400  }
0x1e6: {  	s17 =	sld [smem:$0x7FB]  }
0x1e7: {  	[sflag:s9] =	ssyncset.done $0x0  }
0x1e8: {  	[sflag:s9] =	ssyncadd.s32 $0xFFFF9C00  }
0x1e9: {  	[tilespmem:s7], [sflag:$0x2] =	stream.indirect.gather [hbm4b:s3+s4], $0x20, s17, s4, $0xb8;
	[tilespmem:$0x1F400] =	vst v63  }
0x1ea: {  	_ =	swait.ge [sflag:s16], $0x6400  }
0x1eb: {  	[sflag:s16] =	ssyncset.done $0x0  }
0x1ec: {  	s17 =	rddreg [dreg:$0x13];
	[sflag:s16] =	ssyncadd.s32 $0xFFFF9C00  }
0x1ed: {  	[hbm4b:s17+s2] =	stream.linear.scatter [tilespmem:s12], [sflag:$0x5], $0x6400, $0x38;
	[tilespmem:$0x1F400] =	vst v63  }
0x1ee: {  	_ =	swait.ge [sflag:s10], $0x6400  }
0x1ef: {  	s17 =	sld [smem:$0x7FC]  }
0x1f0: {  	[sflag:s10] =	ssyncset.done $0x0  }
0x1f1: {  	[sflag:s10] =	ssyncadd.s32 $0xFFFF9C00  }
0x1f2: {  	[tilespmem:s5], [sflag:$0x3] =	stream.indirect.gather [hbm4b:s3+s4], $0x20, s17, s4, $0xb8;
	[tilespmem:$0x1F400] =	vst v63  }
0x1f3: {  	_ =	swait.ge [sflag:s15], $0x6400  }
0x1f4: {  	[sflag:s15] =	ssyncset.done $0x0  }
0x1f5: {  	s17 =	rddreg [dreg:$0x14];
	[sflag:s15] =	ssyncadd.s32 $0xFFFF9C00  }
0x1f6: {  	[hbm4b:s17+s2] =	stream.linear.scatter [tilespmem:s7], [sflag:$0x6], $0x6400, $0x38;
	[tilespmem:$0x1F400] =	vst v63  }
0x1f7: {  	_ =	swait.ge [sflag:s11], $0x6400  }
0x1f8: {  	s17 =	sld [smem:$0x7FD]  }
0x1f9: {  	[sflag:s11] =	ssyncset.done $0x0  }
0x1fa: {  	[sflag:s11] =	ssyncadd.s32 $0xFFFF9C00  }
0x1fb: {  	[tilespmem:s6], [sflag:$0x4] =	stream.indirect.gather [hbm4b:s3+s4], $0x20, s17, s4, $0xb8;
	[tilespmem:$0x1F400] =	vst v63  }
0x1fc: {  	_ =	swait.ge [sflag:s13], $0x6400  }
0x1fd: {  	[sflag:s13] =	ssyncset.done $0x0  }
0x1fe: {  	s17 =	rddreg [dreg:$0x15];
	[sflag:s13] =	ssyncadd.s32 $0xFFFF9C00  }
0x1ff: {  	[hbm4b:s17+s2] =	stream.linear.scatter [tilespmem:s5], [sflag:$0x7], $0x6400, $0x38;
	[tilespmem:$0x1F400] =	vst v63  }
0x200: {  	_ =	swait.ge [sflag:s8], $0x6400  }
0x201: {  	[sflag:s8] =	ssyncset.done $0x0  }
0x202: {  	s17 =	simm.s32 $0x3E80;
	[sflag:s8] =	ssyncadd.s32 $0xFFFF9C00  }
0x203: {  	[tilespmem:s12], [sflag:$0x1] =	stream.indirect.gather [hbm4b:s3+s4], $0x20, s17, s4, $0xb8;
	[tilespmem:$0x1F400] =	vst v63  }
0x204: {  	_ =	swait.ge [sflag:s14], $0x6400  }
0x205: {  	[sflag:s14] =	ssyncset.done $0x0  }
0x206: {  	s17 =	rddreg [dreg:$0x16];
	[sflag:s14] =	ssyncadd.s32 $0xFFFF9C00  }
0x207: {  	[hbm4b:s17+s2] =	stream.linear.scatter [tilespmem:s6], [sflag:$0x8], $0x6400, $0x38;
	[tilespmem:$0x1F400] =	vst v63  }
0x208: {  	_ =	swait.ge [sflag:s9], $0x6400  }
0x209: {  	[sflag:s9] =	ssyncset.done $0x0  }
0x20a: {  	[sflag:s9] =	ssyncadd.s32 $0xFFFF9C00  }
0x20b: {  	[tilespmem:s7], [sflag:$0x2] =	stream.indirect.gather [hbm4b:s3+s4], $0x20, s29, s4, $0xb8;
	[tilespmem:$0x1F400] =	vst v63  }
0x20c: {  	_ =	swait.ge [sflag:s16], $0x6400  }
0x20d: {  	[sflag:s16] =	ssyncset.done $0x0  }
0x20e: {  	s17 =	rddreg [dreg:$0x17];
	[sflag:s16] =	ssyncadd.s32 $0xFFFF9C00  }
0x20f: {  	[hbm4b:s17+s2] =	stream.linear.scatter [tilespmem:s12], [sflag:$0x5], $0x6400, $0x38;
	[tilespmem:$0x1F400] =	vst v63  }
0x210: {  	_ =	swait.ge [sflag:s10], $0x6400  }
0x211: {  	[sflag:s10] =	ssyncset.done $0x0  }
0x212: {  	[sflag:s10] =	ssyncadd.s32 $0xFFFF9C00  }
0x213: {  	[tilespmem:s5], [sflag:$0x3] =	stream.indirect.gather [hbm4b:s3+s4], $0x20, s28, s4, $0xb8;
	[tilespmem:$0x1F400] =	vst v63  }
0x214: {  	_ =	swait.ge [sflag:s15], $0x6400  }
0x215: {  	[sflag:s15] =	ssyncset.done $0x0  }
0x216: {  	s17 =	rddreg [dreg:$0x18];
	[sflag:s15] =	ssyncadd.s32 $0xFFFF9C00  }
0x217: {  	[hbm4b:s17+s2] =	stream.linear.scatter [tilespmem:s7], [sflag:$0x6], $0x6400, $0x38;
	[tilespmem:$0x1F400] =	vst v63  }
0x218: {  	_ =	swait.ge [sflag:s11], $0x6400  }
0x219: {  	[sflag:s11] =	ssyncset.done $0x0  }
0x21a: {  	[sflag:s11] =	ssyncadd.s32 $0xFFFF9C00  }
0x21b: {  	[tilespmem:s6], [sflag:$0x4] =	stream.indirect.gather [hbm4b:s3+s4], $0x20, s26, s4, $0xb8;
	[tilespmem:$0x1F400] =	vst v63  }
0x21c: {  	_ =	swait.ge [sflag:s13], $0x6400  }
0x21d: {  	[sflag:s13] =	ssyncset.done $0x0  }
0x21e: {  	s17 =	rddreg [dreg:$0x19];
	[sflag:s13] =	ssyncadd.s32 $0xFFFF9C00  }
0x21f: {  	[hbm4b:s17+s2] =	stream.linear.scatter [tilespmem:s5], [sflag:$0x7], $0x6400, $0x38;
	[tilespmem:$0x1F400] =	vst v63  }
0x220: {  	_ =	swait.ge [sflag:s8], $0x6400  }
0x221: {  	[sflag:s8] =	ssyncset.done $0x0  }
0x222: {  	[sflag:s8] =	ssyncadd.s32 $0xFFFF9C00  }
0x223: {  	[tilespmem:s12], [sflag:$0x1] =	stream.indirect.gather [hbm4b:s3+s4], $0x20, s25, s4, $0xb8;
	[tilespmem:$0x1F400] =	vst v63  }
0x224: {  	_ =	swait.ge [sflag:s14], $0x6400  }
0x225: {  	[sflag:s14] =	ssyncset.done $0x0  }
0x226: {  	s17 =	rddreg [dreg:$0x1a];
	[sflag:s14] =	ssyncadd.s32 $0xFFFF9C00  }
0x227: {  	[hbm4b:s17+s2] =	stream.linear.scatter [tilespmem:s6], [sflag:$0x8], $0x6400, $0x38;
	[tilespmem:$0x1F400] =	vst v63  }
0x228: {  	_ =	swait.ge [sflag:s9], $0x6400  }
0x229: {  	[sflag:s9] =	ssyncset.done $0x0  }
0x22a: {  	[sflag:s9] =	ssyncadd.s32 $0xFFFF9C00  }
0x22b: {  	[tilespmem:s7], [sflag:$0x2] =	stream.indirect.gather [hbm4b:s3+s4], $0x20, s24, s4, $0xb8;
	[tilespmem:$0x1F400] =	vst v63  }
0x22c: {  	_ =	swait.ge [sflag:s16], $0x6400  }
0x22d: {  	[sflag:s16] =	ssyncset.done $0x0  }
0x22e: {  	s17 =	rddreg [dreg:$0x1b];
	[sflag:s16] =	ssyncadd.s32 $0xFFFF9C00  }
0x22f: {  	[hbm4b:s17+s2] =	stream.linear.scatter [tilespmem:s12], [sflag:$0x5], $0x6400, $0x38;
	[tilespmem:$0x1F400] =	vst v63  }
0x230: {  	_ =	swait.ge [sflag:s10], $0x6400  }
0x231: {  	[sflag:s10] =	ssyncset.done $0x0  }
0x232: {  	[sflag:s10] =	ssyncadd.s32 $0xFFFF9C00  }
0x233: {  	[tilespmem:s5], [sflag:$0x3] =	stream.indirect.gather [hbm4b:s3+s4], $0x20, s23, s4, $0xb8;
	[tilespmem:$0x1F400] =	vst v63  }
0x234: {  	_ =	swait.ge [sflag:s15], $0x6400  }
0x235: {  	[sflag:s15] =	ssyncset.done $0x0  }
0x236: {  	s17 =	rddreg [dreg:$0x1c];
	[sflag:s15] =	ssyncadd.s32 $0xFFFF9C00  }
0x237: {  	[hbm4b:s17+s2] =	stream.linear.scatter [tilespmem:s7], [sflag:$0x6], $0x6400, $0x38;
	[tilespmem:$0x1F400] =	vst v63  }
0x238: {  	_ =	swait.ge [sflag:s11], $0x6400  }
0x239: {  	[sflag:s11] =	ssyncset.done $0x0  }
0x23a: {  	[sflag:s11] =	ssyncadd.s32 $0xFFFF9C00  }
0x23b: {  	[tilespmem:s6], [sflag:$0x4] =	stream.indirect.gather [hbm4b:s3+s4], $0x20, s22, s4, $0xb8;
	[tilespmem:$0x1F400] =	vst v63  }
0x23c: {  	_ =	swait.ge [sflag:s13], $0x6400  }
0x23d: {  	[sflag:s13] =	ssyncset.done $0x0  }
0x23e: {  	s17 =	rddreg [dreg:$0x1d];
	[sflag:s13] =	ssyncadd.s32 $0xFFFF9C00  }
0x23f: {  	[hbm4b:s17+s2] =	stream.linear.scatter [tilespmem:s5], [sflag:$0x7], $0x6400, $0x38;
	[tilespmem:$0x1F400] =	vst v63  }
0x240: {  	_ =	swait.ge [sflag:s8], $0x6400  }
0x241: {  	[sflag:s8] =	ssyncset.done $0x0  }
0x242: {  	[sflag:s8] =	ssyncadd.s32 $0xFFFF9C00  }
0x243: {  	[tilespmem:s12], [sflag:$0x1] =	stream.indirect.gather [hbm4b:s3+s4], $0x20, s21, s4, $0xb8;
	[tilespmem:$0x1F400] =	vst v63  }
0x244: {  	_ =	swait.ge [sflag:s14], $0x6400  }
0x245: {  	[sflag:s14] =	ssyncset.done $0x0  }
0x246: {  	s17 =	rddreg [dreg:$0x1e];
	[sflag:s14] =	ssyncadd.s32 $0xFFFF9C00  }
0x247: {  	[hbm4b:s17+s2] =	stream.linear.scatter [tilespmem:s6], [sflag:$0x8], $0x6400, $0x38;
	[tilespmem:$0x1F400] =	vst v63  }
0x248: {  	_ =	swait.ge [sflag:s9], $0x6400  }
0x249: {  	[sflag:s9] =	ssyncset.done $0x0  }
0x24a: {  	[sflag:s9] =	ssyncadd.s32 $0xFFFF9C00  }
0x24b: {  	[tilespmem:s7], [sflag:$0x2] =	stream.indirect.gather [hbm4b:s3+s4], $0x20, s20, s4, $0xb8;
	[tilespmem:$0x1F400] =	vst v63  }
0x24c: {  	_ =	swait.ge [sflag:s16], $0x6400  }
0x24d: {  	[sflag:s16] =	ssyncset.done $0x0  }
0x24e: {  	s17 =	rddreg [dreg:$0x1f];
	[sflag:s16] =	ssyncadd.s32 $0xFFFF9C00  }
0x24f: {  	[hbm4b:s17+s2] =	stream.linear.scatter [tilespmem:s12], [sflag:$0x5], $0x6400, $0x38;
	[tilespmem:$0x1F400] =	vst v63  }
0x250: {  	_ =	swait.ge [sflag:s10], $0x6400  }
0x251: {  	[sflag:s10] =	ssyncset.done $0x0  }
0x252: {  	[sflag:s10] =	ssyncadd.s32 $0xFFFF9C00  }
0x253: {  	[tilespmem:s5], [sflag:$0x3] =	stream.indirect.gather [hbm4b:s3+s4], $0x20, s19, s4, $0xb8;
	[tilespmem:$0x1F400] =	vst v63  }
0x254: {  	_ =	swait.ge [sflag:s15], $0x6400  }
0x255: {  	s17 =	sld [smem:$0x7E9]  }
0x256: {  	[sflag:s15] =	ssyncset.done $0x0  }
0x257: {  	[sflag:s15] =	ssyncadd.s32 $0xFFFF9C00  }
0x258: {  	[hbm4b:s17+s2] =	stream.linear.scatter [tilespmem:s7], [sflag:$0x6], $0x6400, $0x38;
	[tilespmem:$0x1F400] =	vst v63  }
0x259: {  	_ =	swait.ge [sflag:s11], $0x6400  }
0x25a: {  	[sflag:s11] =	ssyncset.done $0x0  }
0x25b: {  	[sflag:s11] =	ssyncadd.s32 $0xFFFF9C00  }
0x25c: {  	[tilespmem:s6], [sflag:$0x4] =	stream.indirect.gather [hbm4b:s3+s4], $0x20, s18, s4, $0xb8;
	[tilespmem:$0x1F400] =	vst v63  }
0x25d: {  	_ =	swait.ge [sflag:s13], $0x6400  }
0x25e: {  	s17 =	sld [smem:$0x7EA]  }
0x25f: {  	[sflag:s13] =	ssyncset.done $0x0  }
0x260: {  	[sflag:s13] =	ssyncadd.s32 $0xFFFF9C00  }
0x261: {  	[hbm4b:s17+s2] =	stream.linear.scatter [tilespmem:s5], [sflag:$0x7], $0x6400, $0x38;
	[tilespmem:$0x1F400] =	vst v63  }
0x262: {  	_ =	swait.ge [sflag:s14], $0x6400  }
0x263: {  	s17 =	sld [smem:$0x7EB]  }
0x264: {  	[sflag:s14] =	ssyncset.done $0x0  }
0x265: {  	[sflag:s14] =	ssyncadd.s32 $0xFFFF9C00  }
0x266: {  	[hbm4b:s17+s2] =	stream.linear.scatter [tilespmem:s6], [sflag:$0x8], $0x6400, $0x38;
	[tilespmem:$0x1F400] =	vst v63  }
0x267: {  	_ =	swait.ge [sflag:s8], $0x6400  }
0x268: {  	[sflag:s8] =	ssyncset.done $0x0  }
0x269: {  	[sflag:s8] =	ssyncadd.s32 $0xFFFF9C00  }
0x26a: {  	_ =	swait.ge [sflag:s9], $0x6400  }
0x26b: {  	[sflag:s9] =	ssyncset.done $0x0  }
0x26c: {  	p1 =	sne.s32 s1, $0x1;
	[sflag:s9] =	ssyncadd.s32 $0xFFFF9C00  }
.Ltmp2:
0x26d: {  	_ =	swait.ge [sflag:s10], $0x6400;
	(pc) =	sbr.rel @p1 .LBB2_4-.Ltmp2, $4  }
0x26e: {  	[sflag:s10] =	ssyncset.done $0x0  }
0x26f: {  	[sflag:s10] =	ssyncadd.s32 $0xFFFF9C00  }
0x270: {  	_ =	swait.ge [sflag:s11], $0x6400  }
0x271: {  	s1 =	sadd.s32 $0xFFFFFFFF, s1;
	s0 =	rddreg [dreg:$0x3];
	[sflag:s11] =	ssyncset.done $0x0  }
0x272: {  	s18 =	simm.s32 $0x3E80;
	s29 =	simm.s32 $0x41A0;
	s28 =	simm.s32 $0x44C0  }
0x273: {  	s26 =	simm.s32 $0x47E0;
	s25 =	simm.s32 $0x4B00;
	s24 =	simm.s32 $0x4E20  }
0x274: {  	s23 =	simm.s32 $0x5140;
	s22 =	simm.s32 $0x5460;
	s21 =	simm.s32 $0x5780  }
0x275: {  	s20 =	simm.s32 $0x5AA0;
	s19 =	simm.s32 $0x5DC0;
	s17 =	stileid.u32  }
.LBB2_6:
0x276: {  	[sflag:s11] =	ssyncadd.s32 @p0 $0xFFFF9C00  }
0x277: {  	[tilespmem:s2], [sflag:$0x9] =	stream.linear.gather [hbm4b:s0+s2], $0x6400, $0x38;
	[tilespmem:$0x1F400] =	vst v63  }
0x278: {  	_ =	swait.ge [sflag:s31], $0x6400  }
0x279: {  	[sflag:s31] =	ssyncset.done $0x0  }
0x27a: {  	[sflag:s31] =	ssyncadd.s32 $0xFFFF9C00  }
0x27b: {  	[tilespmem:s12], [sflag:$0x1] =	stream.indirect.gather [hbm4b:s3+s4], $0x20, s2, s4, $0xb8;
	[tilespmem:$0x1F400] =	vst v63  }
0x27c: {  	_ = 	snop  }
0x27d: {  	[tilespmem:s7], [sflag:$0x2] =	stream.indirect.gather [hbm4b:s3+s4], $0x20, s4, s4, $0xb8;
	[tilespmem:$0x1F400] =	vst v63  }
0x27e: {  	_ =	swait.ge [sflag:s16], $0x6400  }
0x27f: {  	[sflag:s16] =	ssyncset.done $0x0  }
0x280: {  	s1 =	sld [smem:$0x7EC];
	[sflag:s16] =	ssyncadd.s32 $0xFFFF9C00  }
0x281: {  	[hbm4b:s30+s2] =	stream.linear.scatter [tilespmem:s12], [sflag:$0x5], $0x6400, $0x38;
	[tilespmem:$0x1F400] =	vst v63  }
0x282: {  	_ = 	snop  }
0x283: {  	[tilespmem:s5], [sflag:$0x3] =	stream.indirect.gather [hbm4b:s3+s4], $0x20, s1, s4, $0xb8;
	[tilespmem:$0x1F400] =	vst v63  }
0x284: {  	_ =	swait.ge [sflag:s15], $0x6400  }
0x285: {  	s31 =	rddreg [dreg:$0x4];
	[sflag:s15] =	ssyncset.done $0x0  }
0x286: {  	s1 =	sld [smem:$0x7ED];
	[sflag:s15] =	ssyncadd.s32 $0xFFFF9C00  }
0x287: {  	[hbm4b:s31+s2] =	stream.linear.scatter [tilespmem:s7], [sflag:$0x6], $0x6400, $0x38;
	[tilespmem:$0x1F400] =	vst v63  }
0x288: {  	_ = 	snop  }
0x289: {  	[tilespmem:s6], [sflag:$0x4] =	stream.indirect.gather [hbm4b:s3+s4], $0x20, s1, s4, $0xb8;
	[tilespmem:$0x1F400] =	vst v63  }
0x28a: {  	_ =	swait.ge [sflag:s13], $0x6400  }
0x28b: {  	[sflag:s13] =	ssyncset.done $0x0  }
0x28c: {  	s30 =	rddreg [dreg:$0x5];
	[sflag:s13] =	ssyncadd.s32 $0xFFFF9C00  }
0x28d: {  	[hbm4b:s30+s2] =	stream.linear.scatter [tilespmem:s5], [sflag:$0x7], $0x6400, $0x38;
	[tilespmem:$0x1F400] =	vst v63  }
0x28e: {  	_ =	swait.ge [sflag:s8], $0x6400  }
0x28f: {  	s31 =	sld [smem:$0x7EE]  }
0x290: {  	[sflag:s8] =	ssyncset.done $0x0  }
0x291: {  	[sflag:s8] =	ssyncadd.s32 $0xFFFF9C00  }
0x292: {  	[tilespmem:s12], [sflag:$0x1] =	stream.indirect.gather [hbm4b:s3+s4], $0x20, s31, s4, $0xb8;
	[tilespmem:$0x1F400] =	vst v63  }
0x293: {  	_ =	swait.ge [sflag:s14], $0x6400  }
0x294: {  	[sflag:s14] =	ssyncset.done $0x0  }
0x295: {  	s1 =	rddreg [dreg:$0x6];
	[sflag:s14] =	ssyncadd.s32 $0xFFFF9C00  }
0x296: {  	[hbm4b:s1+s2] =	stream.linear.scatter [tilespmem:s6], [sflag:$0x8], $0x6400, $0x38;
	[tilespmem:$0x1F400] =	vst v63  }
0x297: {  	_ =	swait.ge [sflag:s9], $0x6400  }
0x298: {  	s30 =	sld [smem:$0x7EF]  }
0x299: {  	[sflag:s9] =	ssyncset.done $0x0  }
0x29a: {  	[sflag:s9] =	ssyncadd.s32 $0xFFFF9C00  }
0x29b: {  	[tilespmem:s7], [sflag:$0x2] =	stream.indirect.gather [hbm4b:s3+s4], $0x20, s30, s4, $0xb8;
	[tilespmem:$0x1F400] =	vst v63  }
0x29c: {  	_ =	swait.ge [sflag:s16], $0x6400  }
0x29d: {  	[sflag:s16] =	ssyncset.done $0x0  }
0x29e: {  	s31 =	rddreg [dreg:$0x7];
	[sflag:s16] =	ssyncadd.s32 $0xFFFF9C00  }
0x29f: {  	[hbm4b:s31+s2] =	stream.linear.scatter [tilespmem:s12], [sflag:$0x5], $0x6400, $0x38;
	[tilespmem:$0x1F400] =	vst v63  }
0x2a0: {  	_ =	swait.ge [sflag:s10], $0x6400  }
0x2a1: {  	s1 =	sld [smem:$0x7F0]  }
0x2a2: {  	[sflag:s10] =	ssyncset.done $0x0  }
0x2a3: {  	[sflag:s10] =	ssyncadd.s32 $0xFFFF9C00  }
0x2a4: {  	[tilespmem:s5], [sflag:$0x3] =	stream.indirect.gather [hbm4b:s3+s4], $0x20, s1, s4, $0xb8;
	[tilespmem:$0x1F400] =	vst v63  }
0x2a5: {  	_ =	swait.ge [sflag:s15], $0x6400  }
0x2a6: {  	[sflag:s15] =	ssyncset.done $0x0  }
0x2a7: {  	s30 =	rddreg [dreg:$0x8];
	[sflag:s15] =	ssyncadd.s32 $0xFFFF9C00  }
0x2a8: {  	[hbm4b:s30+s2] =	stream.linear.scatter [tilespmem:s7], [sflag:$0x6], $0x6400, $0x38;
	[tilespmem:$0x1F400] =	vst v63  }
0x2a9: {  	_ =	swait.ge [sflag:s11], $0x6400  }
0x2aa: {  	s31 =	sld [smem:$0x7F1]  }
0x2ab: {  	[sflag:s11] =	ssyncset.done $0x0  }
0x2ac: {  	[sflag:s11] =	ssyncadd.s32 $0xFFFF9C00  }
0x2ad: {  	[tilespmem:s6], [sflag:$0x4] =	stream.indirect.gather [hbm4b:s3+s4], $0x20, s31, s4, $0xb8;
	[tilespmem:$0x1F400] =	vst v63  }
0x2ae: {  	_ =	swait.ge [sflag:s13], $0x6400  }
0x2af: {  	[sflag:s13] =	ssyncset.done $0x0  }
0x2b0: {  	s1 =	rddreg [dreg:$0x9];
	[sflag:s13] =	ssyncadd.s32 $0xFFFF9C00  }
0x2b1: {  	[hbm4b:s1+s2] =	stream.linear.scatter [tilespmem:s5], [sflag:$0x7], $0x6400, $0x38;
	[tilespmem:$0x1F400] =	vst v63  }
0x2b2: {  	_ =	swait.ge [sflag:s8], $0x6400  }
0x2b3: {  	s30 =	sld [smem:$0x7F2]  }
0x2b4: {  	[sflag:s8] =	ssyncset.done $0x0  }
0x2b5: {  	[sflag:s8] =	ssyncadd.s32 $0xFFFF9C00  }
0x2b6: {  	[tilespmem:s12], [sflag:$0x1] =	stream.indirect.gather [hbm4b:s3+s4], $0x20, s30, s4, $0xb8;
	[tilespmem:$0x1F400] =	vst v63  }
0x2b7: {  	_ =	swait.ge [sflag:s14], $0x6400  }
0x2b8: {  	[sflag:s14] =	ssyncset.done $0x0  }
0x2b9: {  	s31 =	rddreg [dreg:$0xa];
	[sflag:s14] =	ssyncadd.s32 $0xFFFF9C00  }
0x2ba: {  	[hbm4b:s31+s2] =	stream.linear.scatter [tilespmem:s6], [sflag:$0x8], $0x6400, $0x38;
	[tilespmem:$0x1F400] =	vst v63  }
0x2bb: {  	_ =	swait.ge [sflag:s9], $0x6400  }
0x2bc: {  	s1 =	sld [smem:$0x7F3]  }
0x2bd: {  	[sflag:s9] =	ssyncset.done $0x0  }
0x2be: {  	[sflag:s9] =	ssyncadd.s32 $0xFFFF9C00  }
0x2bf: {  	[tilespmem:s7], [sflag:$0x2] =	stream.indirect.gather [hbm4b:s3+s4], $0x20, s1, s4, $0xb8;
	[tilespmem:$0x1F400] =	vst v63  }
0x2c0: {  	_ =	swait.ge [sflag:s16], $0x6400  }
0x2c1: {  	[sflag:s16] =	ssyncset.done $0x0  }
0x2c2: {  	s30 =	rddreg [dreg:$0xb];
	[sflag:s16] =	ssyncadd.s32 $0xFFFF9C00  }
0x2c3: {  	[hbm4b:s30+s2] =	stream.linear.scatter [tilespmem:s12], [sflag:$0x5], $0x6400, $0x38;
	[tilespmem:$0x1F400] =	vst v63  }
0x2c4: {  	_ =	swait.ge [sflag:s10], $0x6400  }
0x2c5: {  	s31 =	sld [smem:$0x7F4]  }
0x2c6: {  	[sflag:s10] =	ssyncset.done $0x0  }
0x2c7: {  	[sflag:s10] =	ssyncadd.s32 $0xFFFF9C00  }
0x2c8: {  	[tilespmem:s5], [sflag:$0x3] =	stream.indirect.gather [hbm4b:s3+s4], $0x20, s31, s4, $0xb8;
	[tilespmem:$0x1F400] =	vst v63  }
0x2c9: {  	_ =	swait.ge [sflag:s15], $0x6400  }
0x2ca: {  	[sflag:s15] =	ssyncset.done $0x0  }
0x2cb: {  	s1 =	rddreg [dreg:$0xc];
	[sflag:s15] =	ssyncadd.s32 $0xFFFF9C00  }
0x2cc: {  	[hbm4b:s1+s2] =	stream.linear.scatter [tilespmem:s7], [sflag:$0x6], $0x6400, $0x38;
	[tilespmem:$0x1F400] =	vst v63  }
0x2cd: {  	_ =	swait.ge [sflag:s11], $0x6400  }
0x2ce: {  	s30 =	sld [smem:$0x7F5]  }
0x2cf: {  	[sflag:s11] =	ssyncset.done $0x0  }
0x2d0: {  	[sflag:s11] =	ssyncadd.s32 $0xFFFF9C00  }
0x2d1: {  	[tilespmem:s6], [sflag:$0x4] =	stream.indirect.gather [hbm4b:s3+s4], $0x20, s30, s4, $0xb8;
	[tilespmem:$0x1F400] =	vst v63  }
0x2d2: {  	_ =	swait.ge [sflag:s13], $0x6400  }
0x2d3: {  	[sflag:s13] =	ssyncset.done $0x0  }
0x2d4: {  	s31 =	rddreg [dreg:$0xd];
	[sflag:s13] =	ssyncadd.s32 $0xFFFF9C00  }
0x2d5: {  	[hbm4b:s31+s2] =	stream.linear.scatter [tilespmem:s5], [sflag:$0x7], $0x6400, $0x38;
	[tilespmem:$0x1F400] =	vst v63  }
0x2d6: {  	_ =	swait.ge [sflag:s8], $0x6400  }
0x2d7: {  	s1 =	sld [smem:$0x7F6]  }
0x2d8: {  	[sflag:s8] =	ssyncset.done $0x0  }
0x2d9: {  	[sflag:s8] =	ssyncadd.s32 $0xFFFF9C00  }
0x2da: {  	[tilespmem:s12], [sflag:$0x1] =	stream.indirect.gather [hbm4b:s3+s4], $0x20, s1, s4, $0xb8;
	[tilespmem:$0x1F400] =	vst v63  }
0x2db: {  	_ =	swait.ge [sflag:s14], $0x6400  }
0x2dc: {  	[sflag:s14] =	ssyncset.done $0x0  }
0x2dd: {  	s30 =	rddreg [dreg:$0xe];
	[sflag:s14] =	ssyncadd.s32 $0xFFFF9C00  }
0x2de: {  	[hbm4b:s30+s2] =	stream.linear.scatter [tilespmem:s6], [sflag:$0x8], $0x6400, $0x38;
	[tilespmem:$0x1F400] =	vst v63  }
0x2df: {  	_ =	swait.ge [sflag:s9], $0x6400  }
0x2e0: {  	s31 =	sld [smem:$0x7F7]  }
0x2e1: {  	[sflag:s9] =	ssyncset.done $0x0  }
0x2e2: {  	[sflag:s9] =	ssyncadd.s32 $0xFFFF9C00  }
0x2e3: {  	[tilespmem:s7], [sflag:$0x2] =	stream.indirect.gather [hbm4b:s3+s4], $0x20, s31, s4, $0xb8;
	[tilespmem:$0x1F400] =	vst v63  }
0x2e4: {  	_ =	swait.ge [sflag:s16], $0x6400  }
0x2e5: {  	[sflag:s16] =	ssyncset.done $0x0  }
0x2e6: {  	s1 =	rddreg [dreg:$0xf];
	[sflag:s16] =	ssyncadd.s32 $0xFFFF9C00  }
0x2e7: {  	[hbm4b:s1+s2] =	stream.linear.scatter [tilespmem:s12], [sflag:$0x5], $0x6400, $0x38;
	[tilespmem:$0x1F400] =	vst v63  }
0x2e8: {  	_ =	swait.ge [sflag:s10], $0x6400  }
0x2e9: {  	s30 =	sld [smem:$0x7F8]  }
0x2ea: {  	[sflag:s10] =	ssyncset.done $0x0  }
0x2eb: {  	[sflag:s10] =	ssyncadd.s32 $0xFFFF9C00  }
0x2ec: {  	[tilespmem:s5], [sflag:$0x3] =	stream.indirect.gather [hbm4b:s3+s4], $0x20, s30, s4, $0xb8;
	[tilespmem:$0x1F400] =	vst v63  }
0x2ed: {  	_ =	swait.ge [sflag:s15], $0x6400  }
0x2ee: {  	[sflag:s15] =	ssyncset.done $0x0  }
0x2ef: {  	s31 =	rddreg [dreg:$0x10];
	[sflag:s15] =	ssyncadd.s32 $0xFFFF9C00  }
0x2f0: {  	[hbm4b:s31+s2] =	stream.linear.scatter [tilespmem:s7], [sflag:$0x6], $0x6400, $0x38;
	[tilespmem:$0x1F400] =	vst v63  }
0x2f1: {  	_ =	swait.ge [sflag:s11], $0x6400  }
0x2f2: {  	s1 =	sld [smem:$0x7F9]  }
0x2f3: {  	[sflag:s11] =	ssyncset.done $0x0  }
0x2f4: {  	[sflag:s11] =	ssyncadd.s32 $0xFFFF9C00  }
0x2f5: {  	[tilespmem:s6], [sflag:$0x4] =	stream.indirect.gather [hbm4b:s3+s4], $0x20, s1, s4, $0xb8;
	[tilespmem:$0x1F400] =	vst v63  }
0x2f6: {  	_ =	swait.ge [sflag:s13], $0x6400  }
0x2f7: {  	[sflag:s13] =	ssyncset.done $0x0  }
0x2f8: {  	s30 =	rddreg [dreg:$0x11];
	[sflag:s13] =	ssyncadd.s32 $0xFFFF9C00  }
0x2f9: {  	[hbm4b:s30+s2] =	stream.linear.scatter [tilespmem:s5], [sflag:$0x7], $0x6400, $0x38;
	[tilespmem:$0x1F400] =	vst v63  }
0x2fa: {  	_ =	swait.ge [sflag:s8], $0x6400  }
0x2fb: {  	s31 =	sld [smem:$0x7FA]  }
0x2fc: {  	[sflag:s8] =	ssyncset.done $0x0  }
0x2fd: {  	[sflag:s8] =	ssyncadd.s32 $0xFFFF9C00  }
0x2fe: {  	[tilespmem:s12], [sflag:$0x1] =	stream.indirect.gather [hbm4b:s3+s4], $0x20, s31, s4, $0xb8;
	[tilespmem:$0x1F400] =	vst v63  }
0x2ff: {  	_ =	swait.ge [sflag:s14], $0x6400  }
0x300: {  	[sflag:s14] =	ssyncset.done $0x0  }
0x301: {  	s1 =	rddreg [dreg:$0x12];
	[sflag:s14] =	ssyncadd.s32 $0xFFFF9C00  }
0x302: {  	[hbm4b:s1+s2] =	stream.linear.scatter [tilespmem:s6], [sflag:$0x8], $0x6400, $0x38;
	[tilespmem:$0x1F400] =	vst v63  }
0x303: {  	_ =	swait.ge [sflag:s9], $0x6400  }
0x304: {  	s30 =	sld [smem:$0x7FB]  }
0x305: {  	[sflag:s9] =	ssyncset.done $0x0  }
0x306: {  	[sflag:s9] =	ssyncadd.s32 $0xFFFF9C00  }
0x307: {  	[tilespmem:s7], [sflag:$0x2] =	stream.indirect.gather [hbm4b:s3+s4], $0x20, s30, s4, $0xb8;
	[tilespmem:$0x1F400] =	vst v63  }
0x308: {  	_ =	swait.ge [sflag:s16], $0x6400  }
0x309: {  	[sflag:s16] =	ssyncset.done $0x0  }
0x30a: {  	s31 =	rddreg [dreg:$0x13];
	[sflag:s16] =	ssyncadd.s32 $0xFFFF9C00  }
0x30b: {  	[hbm4b:s31+s2] =	stream.linear.scatter [tilespmem:s12], [sflag:$0x5], $0x6400, $0x38;
	[tilespmem:$0x1F400] =	vst v63  }
0x30c: {  	_ =	swait.ge [sflag:s10], $0x6400  }
0x30d: {  	s1 =	sld [smem:$0x7FC]  }
0x30e: {  	[sflag:s10] =	ssyncset.done $0x0  }
0x30f: {  	[sflag:s10] =	ssyncadd.s32 $0xFFFF9C00  }
0x310: {  	[tilespmem:s5], [sflag:$0x3] =	stream.indirect.gather [hbm4b:s3+s4], $0x20, s1, s4, $0xb8;
	[tilespmem:$0x1F400] =	vst v63  }
0x311: {  	_ =	swait.ge [sflag:s15], $0x6400  }
0x312: {  	[sflag:s15] =	ssyncset.done $0x0  }
0x313: {  	s30 =	rddreg [dreg:$0x14];
	[sflag:s15] =	ssyncadd.s32 $0xFFFF9C00  }
0x314: {  	[hbm4b:s30+s2] =	stream.linear.scatter [tilespmem:s7], [sflag:$0x6], $0x6400, $0x38;
	[tilespmem:$0x1F400] =	vst v63  }
0x315: {  	_ =	swait.ge [sflag:s11], $0x6400  }
0x316: {  	s31 =	sld [smem:$0x7FD]  }
0x317: {  	[sflag:s11] =	ssyncset.done $0x0  }
0x318: {  	[sflag:s11] =	ssyncadd.s32 $0xFFFF9C00  }
0x319: {  	[tilespmem:s6], [sflag:$0x4] =	stream.indirect.gather [hbm4b:s3+s4], $0x20, s31, s4, $0xb8;
	[tilespmem:$0x1F400] =	vst v63  }
0x31a: {  	_ =	swait.ge [sflag:s13], $0x6400  }
0x31b: {  	[sflag:s13] =	ssyncset.done $0x0  }
0x31c: {  	s1 =	rddreg [dreg:$0x15];
	[sflag:s13] =	ssyncadd.s32 $0xFFFF9C00  }
0x31d: {  	[hbm4b:s1+s2] =	stream.linear.scatter [tilespmem:s5], [sflag:$0x7], $0x6400, $0x38;
	[tilespmem:$0x1F400] =	vst v63  }
0x31e: {  	_ =	swait.ge [sflag:s8], $0x6400  }
0x31f: {  	[sflag:s8] =	ssyncset.done $0x0  }
0x320: {  	[sflag:s8] =	ssyncadd.s32 $0xFFFF9C00  }
0x321: {  	[tilespmem:s12], [sflag:$0x1] =	stream.indirect.gather [hbm4b:s3+s4], $0x20, s18, s4, $0xb8;
	[tilespmem:$0x1F400] =	vst v63  }
0x322: {  	_ =	swait.ge [sflag:s14], $0x6400  }
0x323: {  	[sflag:s14] =	ssyncset.done $0x0  }
0x324: {  	s18 =	rddreg [dreg:$0x16];
	[sflag:s14] =	ssyncadd.s32 $0xFFFF9C00  }
0x325: {  	[hbm4b:s18+s2] =	stream.linear.scatter [tilespmem:s6], [sflag:$0x8], $0x6400, $0x38;
	[tilespmem:$0x1F400] =	vst v63  }
0x326: {  	_ =	swait.ge [sflag:s9], $0x6400  }
0x327: {  	[sflag:s9] =	ssyncset.done $0x0  }
0x328: {  	[sflag:s9] =	ssyncadd.s32 $0xFFFF9C00  }
0x329: {  	[tilespmem:s7], [sflag:$0x2] =	stream.indirect.gather [hbm4b:s3+s4], $0x20, s29, s4, $0xb8;
	[tilespmem:$0x1F400] =	vst v63  }
0x32a: {  	_ =	swait.ge [sflag:s16], $0x6400  }
0x32b: {  	[sflag:s16] =	ssyncset.done $0x0  }
0x32c: {  	s29 =	rddreg [dreg:$0x17];
	[sflag:s16] =	ssyncadd.s32 $0xFFFF9C00  }
0x32d: {  	[hbm4b:s29+s2] =	stream.linear.scatter [tilespmem:s12], [sflag:$0x5], $0x6400, $0x38;
	[tilespmem:$0x1F400] =	vst v63  }
0x32e: {  	_ =	swait.ge [sflag:s10], $0x6400  }
0x32f: {  	[sflag:s10] =	ssyncset.done $0x0  }
0x330: {  	[sflag:s10] =	ssyncadd.s32 $0xFFFF9C00  }
0x331: {  	[tilespmem:s5], [sflag:$0x3] =	stream.indirect.gather [hbm4b:s3+s4], $0x20, s28, s4, $0xb8;
	[tilespmem:$0x1F400] =	vst v63  }
0x332: {  	_ =	swait.ge [sflag:s15], $0x6400  }
0x333: {  	[sflag:s15] =	ssyncset.done $0x0  }
0x334: {  	s30 =	rddreg [dreg:$0x18];
	[sflag:s15] =	ssyncadd.s32 $0xFFFF9C00  }
0x335: {  	[hbm4b:s30+s2] =	stream.linear.scatter [tilespmem:s7], [sflag:$0x6], $0x6400, $0x38;
	[tilespmem:$0x1F400] =	vst v63  }
0x336: {  	_ =	swait.ge [sflag:s11], $0x6400  }
0x337: {  	[sflag:s11] =	ssyncset.done $0x0  }
0x338: {  	[sflag:s11] =	ssyncadd.s32 $0xFFFF9C00  }
0x339: {  	[tilespmem:s6], [sflag:$0x4] =	stream.indirect.gather [hbm4b:s3+s4], $0x20, s26, s4, $0xb8;
	[tilespmem:$0x1F400] =	vst v63  }
0x33a: {  	_ =	swait.ge [sflag:s13], $0x6400  }
0x33b: {  	[sflag:s13] =	ssyncset.done $0x0  }
0x33c: {  	s31 =	rddreg [dreg:$0x19];
	[sflag:s13] =	ssyncadd.s32 $0xFFFF9C00  }
0x33d: {  	[hbm4b:s31+s2] =	stream.linear.scatter [tilespmem:s5], [sflag:$0x7], $0x6400, $0x38;
	[tilespmem:$0x1F400] =	vst v63  }
0x33e: {  	_ =	swait.ge [sflag:s8], $0x6400  }
0x33f: {  	[sflag:s8] =	ssyncset.done $0x0  }
0x340: {  	[sflag:s8] =	ssyncadd.s32 $0xFFFF9C00  }
0x341: {  	[tilespmem:s12], [sflag:$0x1] =	stream.indirect.gather [hbm4b:s3+s4], $0x20, s25, s4, $0xb8;
	[tilespmem:$0x1F400] =	vst v63  }
0x342: {  	_ =	swait.ge [sflag:s14], $0x6400  }
0x343: {  	[sflag:s14] =	ssyncset.done $0x0  }
0x344: {  	s1 =	rddreg [dreg:$0x1a];
	[sflag:s14] =	ssyncadd.s32 $0xFFFF9C00  }
0x345: {  	[hbm4b:s1+s2] =	stream.linear.scatter [tilespmem:s6], [sflag:$0x8], $0x6400, $0x38;
	[tilespmem:$0x1F400] =	vst v63  }
0x346: {  	_ =	swait.ge [sflag:s9], $0x6400  }
0x347: {  	[sflag:s9] =	ssyncset.done $0x0  }
0x348: {  	[sflag:s9] =	ssyncadd.s32 $0xFFFF9C00  }
0x349: {  	[tilespmem:s7], [sflag:$0x2] =	stream.indirect.gather [hbm4b:s3+s4], $0x20, s24, s4, $0xb8;
	[tilespmem:$0x1F400] =	vst v63  }
0x34a: {  	_ =	swait.ge [sflag:s16], $0x6400  }
0x34b: {  	[sflag:s16] =	ssyncset.done $0x0  }
0x34c: {  	s18 =	rddreg [dreg:$0x1b];
	[sflag:s16] =	ssyncadd.s32 $0xFFFF9C00  }
0x34d: {  	[hbm4b:s18+s2] =	stream.linear.scatter [tilespmem:s12], [sflag:$0x5], $0x6400, $0x38;
	[tilespmem:$0x1F400] =	vst v63  }
0x34e: {  	_ =	swait.ge [sflag:s10], $0x6400  }
0x34f: {  	[sflag:s10] =	ssyncset.done $0x0  }
0x350: {  	[sflag:s10] =	ssyncadd.s32 $0xFFFF9C00  }
0x351: {  	[tilespmem:s5], [sflag:$0x3] =	stream.indirect.gather [hbm4b:s3+s4], $0x20, s23, s4, $0xb8;
	[tilespmem:$0x1F400] =	vst v63  }
0x352: {  	_ =	swait.ge [sflag:s15], $0x6400  }
0x353: {  	[sflag:s15] =	ssyncset.done $0x0  }
0x354: {  	s23 =	rddreg [dreg:$0x1c];
	[sflag:s15] =	ssyncadd.s32 $0xFFFF9C00  }
0x355: {  	[hbm4b:s23+s2] =	stream.linear.scatter [tilespmem:s7], [sflag:$0x6], $0x6400, $0x38;
	[tilespmem:$0x1F400] =	vst v63  }
0x356: {  	_ =	swait.ge [sflag:s11], $0x6400  }
0x357: {  	[sflag:s11] =	ssyncset.done $0x0  }
0x358: {  	[sflag:s11] =	ssyncadd.s32 $0xFFFF9C00  }
0x359: {  	[tilespmem:s6], [sflag:$0x4] =	stream.indirect.gather [hbm4b:s3+s4], $0x20, s22, s4, $0xb8;
	[tilespmem:$0x1F400] =	vst v63  }
0x35a: {  	_ =	swait.ge [sflag:s13], $0x6400  }
0x35b: {  	[sflag:s13] =	ssyncset.done $0x0  }
0x35c: {  	s24 =	rddreg [dreg:$0x1d];
	[sflag:s13] =	ssyncadd.s32 $0xFFFF9C00  }
0x35d: {  	[hbm4b:s24+s2] =	stream.linear.scatter [tilespmem:s5], [sflag:$0x7], $0x6400, $0x38;
	[tilespmem:$0x1F400] =	vst v63  }
0x35e: {  	_ =	swait.ge [sflag:s8], $0x6400  }
0x35f: {  	[sflag:s8] =	ssyncset.done $0x0  }
0x360: {  	[sflag:s8] =	ssyncadd.s32 $0xFFFF9C00  }
0x361: {  	[tilespmem:s12], [sflag:$0x1] =	stream.indirect.gather [hbm4b:s3+s4], $0x20, s21, s4, $0xb8;
	[tilespmem:$0x1F400] =	vst v63  }
0x362: {  	_ =	swait.ge [sflag:s14], $0x6400  }
0x363: {  	[sflag:s14] =	ssyncset.done $0x0  }
0x364: {  	s25 =	rddreg [dreg:$0x1e];
	[sflag:s14] =	ssyncadd.s32 $0xFFFF9C00  }
0x365: {  	[hbm4b:s25+s2] =	stream.linear.scatter [tilespmem:s6], [sflag:$0x8], $0x6400, $0x38;
	[tilespmem:$0x1F400] =	vst v63  }
0x366: {  	_ =	swait.ge [sflag:s9], $0x6400  }
0x367: {  	[sflag:s9] =	ssyncset.done $0x0  }
0x368: {  	[sflag:s9] =	ssyncadd.s32 $0xFFFF9C00  }
0x369: {  	[tilespmem:s7], [sflag:$0x2] =	stream.indirect.gather [hbm4b:s3+s4], $0x20, s20, s4, $0xb8;
	[tilespmem:$0x1F400] =	vst v63  }
0x36a: {  	_ =	swait.ge [sflag:s16], $0x6400  }
0x36b: {  	[sflag:s16] =	ssyncset.done $0x0  }
0x36c: {  	s26 =	rddreg [dreg:$0x1f];
	[sflag:s16] =	ssyncadd.s32 $0xFFFF9C00  }
0x36d: {  	[hbm4b:s26+s2] =	stream.linear.scatter [tilespmem:s12], [sflag:$0x5], $0x6400, $0x38;
	[tilespmem:$0x1F400] =	vst v63  }
0x36e: {  	_ =	swait.ge [sflag:s10], $0x6400  }
0x36f: {  	[sflag:s10] =	ssyncset.done $0x0  }
0x370: {  	[sflag:s10] =	ssyncadd.s32 $0xFFFF9C00  }
0x371: {  	[tilespmem:s5], [sflag:$0x3] =	stream.indirect.gather [hbm4b:s3+s4], $0x20, s19, s4, $0xb8;
	[tilespmem:$0x1F400] =	vst v63  }
0x372: {  	_ =	swait.ge [sflag:s15], $0x6400  }
0x373: {  	s28 =	sld [smem:$0x7E9]  }
0x374: {  	[sflag:s15] =	ssyncset.done $0x0  }
0x375: {  	[sflag:s15] =	ssyncadd.s32 $0xFFFF9C00  }
0x376: {  	[hbm4b:s28+s2] =	stream.linear.scatter [tilespmem:s7], [sflag:$0x6], $0x6400, $0x38;
	[tilespmem:$0x1F400] =	vst v63  }
0x377: {  	_ =	swait.ge [sflag:s11], $0x6400  }
0x378: {  	[sflag:s11] =	ssyncset.done $0x0  }
0x379: {  	s29 =	simm.s32 $0x60E0;
	[sflag:s11] =	ssyncadd.s32 $0xFFFF9C00  }
0x37a: {  	[tilespmem:s6], [sflag:$0x4] =	stream.indirect.gather [hbm4b:s3+s4], $0x20, s29, s4, $0xb8;
	[tilespmem:$0x1F400] =	vst v63  }
0x37b: {  	_ =	swait.ge [sflag:s13], $0x6400  }
0x37c: {  	s30 =	sld [smem:$0x7EA]  }
0x37d: {  	[sflag:s13] =	ssyncset.done $0x0  }
0x37e: {  	[sflag:s13] =	ssyncadd.s32 $0xFFFF9C00  }
0x37f: {  	[hbm4b:s30+s2] =	stream.linear.scatter [tilespmem:s5], [sflag:$0x7], $0x6400, $0x38;
	[tilespmem:$0x1F400] =	vst v63  }
0x380: {  	_ =	swait.ge [sflag:s14], $0x6400  }
0x381: {  	s31 =	sld [smem:$0x7EB]  }
0x382: {  	[sflag:s14] =	ssyncset.done $0x0  }
0x383: {  	[sflag:s14] =	ssyncadd.s32 $0xFFFF9C00  }
0x384: {  	[hbm4b:s31+s2] =	stream.linear.scatter [tilespmem:s6], [sflag:$0x8], $0x6400, $0x38;
	[tilespmem:$0x1F400] =	vst v63  }
0x385: {  	_ =	swait.ge [sflag:s8], $0x6400  }
0x386: {  	[sflag:s8] =	ssyncset.done $0x0  }
0x387: {  	[sflag:s8] =	ssyncadd.s32 $0xFFFF9C00  }
0x388: {  	_ =	swait.ge [sflag:s9], $0x6400  }
0x389: {  	[sflag:s9] =	ssyncset.done $0x0  }
0x38a: {  	[sflag:s9] =	ssyncadd.s32 $0xFFFF9C00  }
0x38b: {  	_ =	swait.ge [sflag:s10], $0x6400  }
0x38c: {  	[sflag:s10] =	ssyncset.done $0x0  }
0x38d: {  	[sflag:s10] =	ssyncadd.s32 $0xFFFF9C00  }
0x38e: {  	_ =	swait.ge [sflag:s11], $0x6400  }
0x38f: {  	[sflag:s11] =	ssyncset.done $0x0  }
0x390: {  	[sflag:s11] =	ssyncadd.s32 $0xFFFF9C00  }
0x391: {  	_ =	sfence.sel $0x180000  }
0x392: {  	[bflag:$0x0] =	sbarrier.arrive $0xFFFF  }
0x393: {  	_ =	strace $0x90000047  }
0x394: {  	[bflag:$0x2] =	sbarrier.arrive $0xFFFF  }
0x395: {  	p0 =	sne.s32 s17, $0x0;
	s0 =	rddreg [dreg:$0x2]  }
0x396: {  	s0 =	sadd.s32 @!p0 $0x100000, s0  }
0x397: {  	[sflag:s0] =	ssyncadd.tile.s32 @!p0 $0x1;
	_ =	shalt  }
.LBB2_1:
.Ltmp3:
0x398: {  	(pc) =	sbr.rel .LBB2_6-.Ltmp3, $4  }
0x399: {  	s18 =	simm.s32 $0x3E80;
	s29 =	simm.s32 $0x41A0  }
0x39a: {  	s28 =	simm.s32 $0x44C0;
	s26 =	simm.s32 $0x47E0;
	s25 =	simm.s32 $0x4B00  }
0x39b: {  	s24 =	simm.s32 $0x4E20;
	s23 =	simm.s32 $0x5140;
	s22 =	simm.s32 $0x5460  }
0x39c: {  	s21 =	simm.s32 $0x5780;
	s20 =	simm.s32 $0x5AA0;
	s19 =	simm.s32 $0x5DC0  }
.LBB2_3:
.Ltmp4:
0x39d: {  	(pc) =	sbr.rel .LBB2_6-.Ltmp4, $4  }
0x39e: {  	s18 =	simm.s32 $0x3E80;
	s29 =	simm.s32 $0x41A0;
	s28 =	simm.s32 $0x44C0  }
0x39f: {  	s26 =	simm.s32 $0x47E0;
	s25 =	simm.s32 $0x4B00;
	s24 =	simm.s32 $0x4E20  }
0x3a0: {  	s23 =	simm.s32 $0x5140;
	s22 =	simm.s32 $0x5460;
	s21 =	simm.s32 $0x5780  }
0x3a1: {  	s20 =	simm.s32 $0x5AA0;
	s19 =	simm.s32 $0x5DC0;
	s17 =	stileid.u32  }
.Lfunc_end2:
_tile_overlayer_lowered:
.L_overlay_start_2:
0x3a2: {  	(tag) =	ssettag $0x2  }
0x3a3: {  	s0 =	rddreg [dreg:$0x0];
	s2 =	stileid.u32  }
0x3a4: {  	s1 =	rddreg [dreg:$0x1];
	p0 =	sne.s32 s2, $0x0  }
0x3a5: {  	s3 =	rddreg [dreg:$0x2];
	[bflag:$0x3] =	sbarrier.arrive $0xFFFF;
	s2 =	simm.s32 @!p0 $0x1C09  }
0x3a6: {  	[timem:s3], [sflag:s2] =	dma.local @!p0 [hbm:s0], s1  }
0x3a7: {  	s0 =	simm.s32 @!p0 $0x9  }
0x3a8: {  	_ =	swait.ge @!p0 [sflag:s0], s1  }
0x3a9: {  	s1 =	ssub.s32 @!p0 $0x0, s1;
	[sflag:s0] =	ssyncset.done @!p0 $0x0  }
0x3aa: {  	[sflag:s0] =	ssyncadd.s32 @!p0 s1  }
0x3ab: {  	[bflag:$0x3] =	sbarrier.arrive $0xFFFF  }
0x3ac: {  	_ =	shalt  }

// kernel: sparse-core-data-format-call.cloned.1.call-start
scs
called_computation_lowered:
.L_overlay_start_0:
0x0: {  	s2 =	sld [smem:$0x3FD9]  }
0x1: {  	s3 =	sld [smem:$0x3FFE];
	_ =	sdelay $0x1  }
0x2: {  	s1 =	srdreg.scid  }
0x3: {  	s0 =	sand.u32 $0x1, s1  }
0x4: {  	s18 =	sshll.u32 s0, $0xA;
	s2 =	sadd.s32 s3, s2  }
0x5: {  	s2 =	sadd.s32 s2, s18  }
0x6: {  	[smem:$0x3FC6] =	sst s2  }
0x7: {  	_ = 	snop  }
0x8: {  	s2 =	sld [smem:$0x3FD0];
	(tm) =	ssettm $0x1  }
0x9: {  	s19 =	sld [smem:$0x3FFB];
	_ =	sdelay $0x3  }
0xa: {  	_ =	strace s19  }
0xb: {  	s3 =	sld [smem:$0x3FFC];
	_ =	sdelay $0x3  }
0xc: {  	_ =	strace s3  }
0xd: {  	s3 =	sld [smem:$0x3FFD];
	_ =	sdelay $0x3  }
0xe: {  	_ =	strace s3  }
0xf: {  	_ =	strace $0x8FFFFFFF  }
0x10: {  	s20 =	sld [smem:$0x3FDB];
	_ =	sdelay $0x1  }
0x11: {  	s4 =	simm.s32 $_scs_section_size  }
0x12: {  	s5 =	simm.s32 $_size__tile_overlayer_lowered;
	s6 =	simm.s32 $_tile_overlayer_lowered  }
0x13: {  	s23 =	simm.s32 $0x1BFF;
	s22 =	sshll.u32 s6, $0x1;
	s3 =	sadd.s32 s4, s20  }
0x14: {  	s7 =	simm.s32 $0x0;
	s21 =	sshll.u32 s5, $0x1;
	s5 =	sadd.s32 s22, s3  }
0x15: {  	[timem:s7], [sflag:s23] =	dma.local [hbm:s5], s21  }
0x16: {  	_ =	swait.ge [sflag:s23], s21  }
0x17: {  	s4 =	ssub.s32 $0x0, s21;
	[sflag:s23] =	ssyncset.done $0x0  }
0x18: {  	[sflag:s23] =	ssyncadd.s32 s4;
	_ =	sdelay $0x1  }
0x19: {  	s24 =	simm.s32 $0x1B8B  }
0x1a: {  	_ =	swait.ge [sflag:s24], $0x1  }
0x1b: {  	[sflag:s24] =	ssyncset.done $0x0  }
0x1c: {  	s26 =	simm.s32 $0x1B8E;
	s25 =	sld [smem:$0x3FFE];
	[sflag:s24] =	ssyncadd.s32 $0xFFFFFFFF  }
0x1d: {  	s27 =	simm.s32 $execute0_lowered;
	[smem:$0x3FD2] =	sst s26  }
0x1e: {  	s5 =	sshll.u32 s27, $0x1;
	_ =	strace $0x80000049;
	[dreg:$0x1] =	wrdreg $0xFFFFFFFF  }
0x1f: {  	s28 =	simm.s32 $_size_execute0_lowered;
	s3 =	sadd.s32 s3, s5;
	[dreg:$0x0] =	wrdreg $0x0  }
0x20: {  	s5 =	sshll.u32 s28, $0x1;
	[dreg:$0x2] =	wrdreg s3  }
0x21: {  	[dreg:$0x3] =	wrdreg s5  }
0x22: {  	[dreg:$0x4] =	wrdreg $0xC0  }
0x23: {  	_ =	task [dreg:s7], $0x5FFFF  }
0x24: {  	[dreg:$0x1] =	wrdreg $0xFFFFFFFF  }
0x25: {  	[dreg:$0x0] =	wrdreg $0x60  }
0x26: {  	[dreg:$0x2] =	wrdreg s25  }
0x27: {  	[dreg:$0x3] =	wrdreg s2  }
0x28: {  	[dreg:$0x4] =	wrdreg $0x9  }
0x29: {  	_ =	task.clear_ibuf [dreg:s7], $0x5FFFF;
	_ =	strace $0x90000049  }
0x2a: {  	s29 =	simm.s32 $0x9;
	_ =	strace $0x8000004B  }
0x2b: {  	_ =	swait.ge [sflag:s29], $0x1  }
0x2c: {  	[sflag:s29] =	ssyncadd.s32 $0xFFFFFFFF  }
0x2d: {  	_ =	strace $0x9000004B  }
0x2e: {  	_ =	sfence  }
0x2f: {  	s30 =	sld [smem:$0x0];
	_ =	sdelay $0x2  }
0x30: {  	s31 =	sshll.u32 s1, $0xD;
	s1 =	sshrl.u32 s1, $0x2  }
0x31: {  	s3 =	sand.u32 $0x4000, s31;
	s1 =	sadd.s32 s1, s30  }
0x32: {  	s0 =	sor.u32 s3, s0;
	s1 =	sshll.u32 s1, $0x11  }
0x33: {  	s0 =	sor.u32 s1, s0  }
0x34: {  	s0 =	sadd.s32 $0x8F2B, s0  }
0x35: {  	[sflag:s0] =	ssyncadd.remote.s32 $0x1  }
0x36: {  	_ =	sfence.sel $0xFFFF  }
0x37: {  	[dreg:$0x0] =	wrdreg $0xFFFFFFFF;
	(pc) =	sbr.abs _section_cstart, $3  }
0x38: {  	[dreg:$0x1] =	wrdreg $0xFFFFFFFF  }
0x39: {  	_ =	task.clear_ibuf [dreg:s7], $0x2FFFF;
	_ =	strace $0x9FFFFFFF  }
0x3a: {  	(tm) =	ssettm $0x7FFFFFFF  }
0x3b: {  	_ =	shalt  }
tec
execute0_lowered:
.L_overlay_start_1:
0x0: {  	(tag) =	ssettag $0x1  }
0x1: {  	s0 =	srdreg.scid  }
0x2: {  	s1 =	sshll.u32 s0, $0x4  }
0x3: {  	s0 =	stileid.u32;
	s1 =	sand.u32 $0x10, s1  }
0x4: {  	s1 =	sor.u32 s0, s1  }
0x5: {  	s6 =	rddreg [dreg:$0x0];
	s4 =	simm.s32 $0x1;
	s2 =	sshll.u32 s1, $0x7  }
0x6: {  	s7 =	simm.s32 $0x2;
	s12 =	simm.s32 $0x0;
	s1 =	ssub.s32 $0x1000, s2  }
0x7: {  	s8 =	simm.s32 $0x8000;
	s13 =	simm.s32 $0x0;
	s3 =	sand.u32 $0xF80, s1  }
0x8: {  	s9 =	simm.s32 $0x0;
	s5 =	sshrl.u32 s1, $0xC;
	p0 =	sne.s32 s3, $0x0  }
.Ltmp0:
0x9: {  	s1 =	rddreg [dreg:$0x2];
	s4 =	simm.s32 @!p0 $0x0;
	(pc) =	sbr.rel .LBB1_1-.Ltmp0, $4  }
0xa: {  	s11 =	simm.s32 $0x0;
	s3 =	rddreg [dreg:$0x1];
	s5 =	sadd.s32 s4, s5  }
0xb: {  	_ =	strace $0x8000004A;
	s4 =	simm.s32 $0x1;
	s5 =	smul.u32 $0xC8, s5  }
0xc: {  	s6 =	sadd.s32 $0xA00, s6;
	s10 =	smov.u32 s2;
	[sflag:s4] =	ssyncpa.u1 $0x0  }
0xd: {  	p0 =	por $0x0, $0x0;
	[sflag:s7] =	ssyncpa.u1 $0x0;
	s7 =	sor.u32 $0x1, s5  }
.LBB1_4:
0xe: {  	s16 =	sshll.u32 s13, $0x3;
	s17 =	sand.u32 $0x78, s13  }
0xf: {  	s30 =	sand.u32 $0x3E00, s13;
	s12 =	sshll.u32 s12, $0xE;
	s16 =	sand.u32 $0xC00, s16  }
0x10: {  	s31 =	sand.u32 $0x7, s13;
	s16 =	sor.u32 s17, s16;
	s17 =	sadd.s32 s3, s30  }
0x11: {  	s13 =	sshll.u32 s31, $0x12;
	s16 =	sshrl.u32 s16, $0x3;
	s12 =	sadd.s32 s12, s17  }
0x12: {  	[tilespmem:s15+$0x0 ss:$0x81] =	vst.msk $0xffff, v0;
	s13 =	sor.u32 $0x400, s13;
	s12 =	sadd.s32 s16, s12  }
0x13: {  	[hbm4b:s12+s13] =	stream.strided.scatter [tilespmem:s14], [sflag:$0x2], $0x1000, s8, s13, $0x20;
	[tilespmem:$0x4040] =	vst v63  }
.LBB1_5:
0x14: {  	s14 =	sadd.s32 $0x1, s9  }
0x15: {  	s12 =	sadd.s32 $0x1000, s10;
	s16 =	smov.u32 s10;
	p2 =	sgt.s32 s14, $0xC7  }
0x16: {  	s16 =	smov.u32 @p2 s12  }
0x17: {  	s14 =	simm.s32 @p2 $0x0;
	p2 =	sgt.s32 s16, $0xFFF  }
0x18: {  	s16 =	smov.u32 @p2 s2;
	p2 =	sne.s32 s11, s7  }
.Ltmp1:
0x19: {  	p1 =	slt.u32 s11, $0x2;
	(pc) =	sbr.rel @!p2 .LBB1_6-.Ltmp1, $4  }
0x1a: {  	s15 =	simm.s32 @!p1 $0x2  }
0x1b: {  	s13 =	smov.u32 s10;
	p0 =	por !p0, !p0;
	_ =	swait.ge @!p1 [sflag:s15], $0x1000  }
0x1c: {  	s12 =	smov.u32 s9;
	[sflag:s15] =	ssyncset.done @!p1 $0x0;
	s9 =	smov.u32 s14  }
0x1d: {  	s11 =	sadd.s32 $0x1, s11;
	[sflag:s15] =	ssyncadd.s32 @!p1 $0xFFFFF000;
	s10 =	smov.u32 s16  }
.LBB1_1:
0x1e: {  	p1 =	sge.u32 s11, s5  }
0x1f: {  	s14 =	sand.u32 @!p1 $0x1FFFFFF, s9  }
0x20: {  	s15 =	smulhi.u32 @!p1 $0x147AE15, s14;
	_ =	sdelay $0x1  }
0x21: {  	s15 =	smul.u32 @!p1 $0xC8, s15  }
0x22: {  	s16 =	sxor.u32 @!p1 $0xFFFFFFFF, s11;
	s17 =	smul.u32 @!p1 $0xC80, s10  }
0x23: {  	s31 =	sadd.s32 $0xFFFFFFFF, s11;
	s16 =	sshll.u32 @!p1 s16, $0xC;
	s14 =	ssub.s32 @!p1 s14, s15  }
0x24: {  	s15 =	sand.u32 @!p1 $0x1000, s16;
	s16 =	sadd.s32 @!p1 s6, s17;
	s14 =	sshll.u32 @!p1 s14, $0x4  }
0x25: {  	s17 =	simm.s32 @!p1 $0x6400;
	s14 =	sadd.s32 @!p1 s14, s16;
	s16 =	simm.s32 @!p1 $0x20  }
0x26: {  	[tilespmem:s15], [sflag:$0x1] =	stream.strided.gather @!p1 [hbm4b:s14+s16], $0x1000, s17, s16, $0x38;
	[tilespmem:$0x4040] =	vst v63  }
0x27: {  	p1 =	sge.u32 s31, s5  }
.Ltmp2:
0x28: {  	_ = 	snop;
	(pc) =	sbr.rel @p1 .LBB1_5-.Ltmp2, $1  }
0x29: {  	_ =	sdelay $0x3  }
0x2a: {  	s14 =	simm.s32 $0x1  }
0x2b: {  	_ =	swait.ge [sflag:s4], $0x1000;
	s14 =	simm.s32 @!p0 $0x0  }
0x2c: {  	[sflag:s4] =	ssyncset.done $0x0;
	s15 =	sshll.u32 s14, $0xC  }
0x2d: {  	[sflag:s4] =	ssyncadd.s32 $0xFFFFF000;
	s18 =	sor.u32 $0x10, s15  }
0x2e: {  	s14 =	smul.u32 $0x4080, s14;
	v1 =	vld [tilespmem:s18+$0x0]  }
0x2f: {  	s30 =	sand.u32 $0x1, s11;
	v0 =	vld [tilespmem:s18+$0xFFFFFFF0]  }
0x30: {  	s15 =	smul.u32 $0x4080, s30;
	s14 =	sshrl.u32 s14, $0x2  }
0x31: {  	s16 =	sor.u32 $0x2000, s14  }
0x32: {  	s31 =	sshrl.u32 s15, $0x2;
	s15 =	sadd.s32 $0x0, s16  }
0x33: {  	s17 =	simm.s32 $0x4;
	s18 =	sadd.s32 $0x20, s18;
	s14 =	sor.u32 $0x2000, s31;
	[tilespmem:s15+$0x810 ss:$0x81] =	vst.msk $0xffff, v1  }
.LBB1_3:
0x34: {  	v1 =	vld [tilespmem:s18+$0x0];
	p1 =	sne.s32 s17, $0x1FC;
	[tilespmem:s15+$0x0 ss:$0x81] =	vst.msk $0xffff, v0;
	s15 =	smov.u32 s17;
	s17 =	sadd.s32 $0x4, s17  }
.Ltmp3:
0x35: {  	v0 =	vld [tilespmem:s18+$0xFFFFFFF0];
	(pc) =	sbr.rel @p1 .LBB1_3-.Ltmp3, $4  }
0x36: {  	_ = 	snop  }
0x37: {  	s15 =	sshra.s32 s15, $0x2  }
0x38: {  	s15 =	sadd.s32 s15, s16  }
0x39: {  	s18 =	sadd.s32 $0x20, s18;
	[tilespmem:s15+$0x810 ss:$0x81] =	vst.msk $0xffff, v1  }
.Ltmp4:
0x3a: {  	_ = 	snop;
	(pc) =	sbr.rel .LBB1_4-.Ltmp4, $1  }
0x3b: {  	_ =	sdelay $0x3  }
.LBB1_6:
0x3c: {  	_ =	sfence.sel $0x180000  }
0x3d: {  	s2 =	simm.s32 $0x1;
	[bflag:$0x0] =	sbarrier.arrive $0xFFFF  }
0x3e: {  	s31 =	simm.s32 $0x2;
	[sflag:s2] =	ssyncpa.u1 $0x1  }
0x3f: {  	[sflag:s31] =	ssyncpa.u1 $0x1  }
0x40: {  	p0 =	sne.s32 s0, $0x0;
	_ =	strace $0x9000004A  }
0x41: {  	s0 =	sadd.s32 @!p0 $0x100000, s1;
	[bflag:$0x2] =	sbarrier.arrive $0xFFFF  }
0x42: {  	[sflag:s0] =	ssyncadd.tile.s32 @!p0 $0x1;
	_ =	shalt  }
.Lfunc_end1:
_tile_overlayer_lowered:
.L_overlay_start_2:
0x43: {  	(tag) =	ssettag $0x2  }
0x44: {  	s0 =	rddreg [dreg:$0x0];
	s2 =	stileid.u32  }
0x45: {  	s1 =	rddreg [dreg:$0x1];
	p0 =	sne.s32 s2, $0x0  }
0x46: {  	s3 =	rddreg [dreg:$0x2];
	[bflag:$0x3] =	sbarrier.arrive $0xFFFF;
	s2 =	simm.s32 @!p0 $0x1C01  }
0x47: {  	[timem:s3], [sflag:s2] =	dma.local @!p0 [hbm:s0], s1  }
0x48: {  	s0 =	simm.s32 @!p0 $0x1  }
0x49: {  	_ =	swait.ge @!p0 [sflag:s0], s1  }
0x4a: {  	s1 =	ssub.s32 @!p0 $0x0, s1;
	[sflag:s0] =	ssyncset.done @!p0 $0x0  }
0x4b: {  	[sflag:s0] =	ssyncadd.s32 @!p0 s1  }
0x4c: {  	[bflag:$0x3] =	sbarrier.arrive $0xFFFF  }
0x4d: {  	_ =	shalt  }

</sc_bundles>
